<compile_context>
chip_gen: v7x
topology: tpu7x:2x2x1
jax: 0.10.2.dev20260603
libtpu: 0.0.44.dev20260713+nightly
codegen_flags: <defaults>
</compile_context>

<pallas_src>
import jax
import jax.numpy as jnp
from jax import lax
from jax.experimental import pallas as pl
from jax.experimental.pallas import tpu as pltpu
from jax.experimental.pallas import tpu_sc as plsc

_B = 16384
_NH = 512
_ED = 16
_NT = 100000
_NM = 1000

_NC = 2
_NS = 16
_NW = _NC * _NS
_BPW = _B // _NW


def _sc_gather_body(ts_hbm, ms_hbm, tid_hbm, mid_hbm,
                    g_hbm,
                    tid_v, mid_v, ts_v, ms_tab_v, g_v, stage_v, ts_spm,
                    sem_t):
    sid = lax.axis_index("s")
    wid = sid * _NC + lax.axis_index("c")
    base = wid * _BPW
    pltpu.sync_copy(tid_hbm.at[pl.ds(base, _BPW)], tid_v)
    pltpu.sync_copy(mid_hbm.at[pl.ds(base, _BPW)], mid_v)
    pltpu.sync_copy(ms_hbm, ms_tab_v)

    @pl.when(sid == 0)
    def _():
        pltpu.sync_copy(ts_hbm, stage_v)
        pltpu.sync_copy(stage_v, ts_spm)

    plsc.subcore_barrier()
    pltpu.async_copy(ts_spm.at[tid_v], ts_v, sem_t).wait()

    for i in range(_BPW // 16):
        sl = pl.ds(i * 16, 16)
        mvals = plsc.load_gather(ms_tab_v, [mid_v[sl]])
        g_v[sl] = ts_v[sl] + mvals
    pltpu.sync_copy(g_v, g_hbm.at[pl.ds(base, _BPW)])


_SC_GATHER = None


def _get_sc_gather():
    global _SC_GATHER
    if _SC_GATHER is None:
        _SC_GATHER = pl.kernel(
            _sc_gather_body,
            out_type=jax.ShapeDtypeStruct((_B,), jnp.float32),
            mesh=plsc.VectorSubcoreMesh(
                core_axis_name="c", subcore_axis_name="s",
                num_cores=_NC, num_subcores=_NS),
            scratch_types=[
                pltpu.VMEM((_BPW,), jnp.int32),
                pltpu.VMEM((_BPW,), jnp.int32),
                pltpu.VMEM((_BPW,), jnp.float32),
                pltpu.VMEM((_NM,), jnp.float32),
                pltpu.VMEM((_BPW,), jnp.float32),
                pltpu.VMEM((_NT,), jnp.float32),
                pltpu.VMEM_SHARED((_NT,), jnp.float32),
                pltpu.SemaphoreType.DMA,
            ],
            compiler_params=pltpu.CompilerParams(
                use_tc_tiling_on_sc=False, needs_layout_passes=False),
        )
    return _SC_GATHER


_TBLK = 25600


def _tc_scores_body(tt_ref, mt_ref, w_ref, ts_ref, ms_ref):
    wt = w_ref[_NH:_NH + _ED, :]
    ts_ref[...] = jnp.sum(tt_ref[...] * wt, axis=0)

    @pl.when(pl.program_id(0) == 0)
    def _():
        wm = w_ref[_NH + _ED:, :]
        ms_ref[...] = jnp.sum(mt_ref[...] * wm, axis=0)


_tc_scores = pl.pallas_call(
    _tc_scores_body,
    grid=(pl.cdiv(_NT, _TBLK),),
    in_specs=[
        pl.BlockSpec((_ED, _TBLK), lambda i: (0, i)),
        pl.BlockSpec((_ED, _NM), lambda i: (0, 0)),
        pl.BlockSpec((544, 1), lambda i: (0, 0)),
    ],
    out_specs=[
        pl.BlockSpec((_TBLK,), lambda i: (i,)),
        pl.BlockSpec((_NM,), lambda i: (0,)),
    ],
    out_shape=[
        jax.ShapeDtypeStruct((_NT,), jnp.float32),
        jax.ShapeDtypeStruct((_NM,), jnp.float32),
    ],
)

_BLK = 4096


def _tc_head_body(h_ref, w_ref, b_ref, o_ref):
    wh = w_ref[:_NH, :]
    acc = jnp.dot(h_ref[...], wh, preferred_element_type=jnp.float32)
    o_ref[...] = acc[:, 0] + b_ref[0]


_tc_head = pl.pallas_call(
    _tc_head_body,
    grid=(_B // _BLK,),
    in_specs=[
        pl.BlockSpec((_BLK, _NH), lambda i: (i, 0)),
        pl.BlockSpec((544, 1), lambda i: (0, 0)),
        pl.BlockSpec(memory_space=pltpu.SMEM),
    ],
    out_specs=pl.BlockSpec((_BLK,), lambda i: (i,)),
    out_shape=jax.ShapeDtypeStruct((_B,), jnp.float32),
)


@jax.jit
def kernel(h, teacher_id, materia_id, teacher_emb, materia_emb, W, b):
    tid = teacher_id.astype(jnp.int32)
    mid = materia_id.astype(jnp.int32)
    wT = W.T
    ts, ms = _tc_scores(teacher_emb.T, materia_emb.T, wT)
    g = _get_sc_gather()(ts, ms, tid, mid)
    oh = _tc_head(h, wT, b)
    return oh + g

# --- scband reference (transcript-rebuilt; emitter-appended) ---
"""Pipeline reference for scband-regression-head-50534585205444 (READ-ONLY COPY).

The authoritative reference and input builder live on the scoring server;
editing this copy changes nothing except your own understanding.
"""

import jax, jax.numpy as jnp
import numpy as np

B = 16384
N_HIDDEN = 512
N_TEACHERS = 100000
N_MATERIAS = 1000
EMB_DIM = 16
IN_DIM = N_HIDDEN + 2 * EMB_DIM


def setup_inputs(seed: int = 0) -> dict:
    key = jax.random.key(seed)
    k1, k2, k3, k4, k5, k6 = jax.random.split(key, 6)
    h = jax.random.normal(k1, (B, N_HIDDEN), dtype=jnp.float32)
    teacher_id = jax.random.randint(k2, (B,), 0, N_TEACHERS, dtype=jnp.int64 if jax.config.jax_enable_x64 else jnp.int32)
    materia_id = jax.random.randint(k3, (B,), 0, N_MATERIAS, dtype=jnp.int64 if jax.config.jax_enable_x64 else jnp.int32)
    teacher_emb = jax.random.normal(k4, (N_TEACHERS, EMB_DIM), dtype=jnp.float32) * 0.05
    materia_emb = jax.random.normal(k5, (N_MATERIAS, EMB_DIM), dtype=jnp.float32) * 0.05
    bound = 1.0 / np.sqrt(IN_DIM)
    W = jax.random.uniform(k6, (1, IN_DIM), dtype=jnp.float32, minval=-bound, maxval=bound)
    b = jnp.zeros((1,), dtype=jnp.float32)
    return {"h": h, "teacher_id": teacher_id, "materia_id": materia_id,
            "teacher_emb": teacher_emb, "materia_emb": materia_emb, "W": W, "b": b}


def reference(h, teacher_id, materia_id, teacher_emb, materia_emb, W, b):
    t = jnp.take(teacher_emb, teacher_id, axis=0)
    m = jnp.take(materia_emb, materia_id, axis=0)
    x = jnp.concatenate([h, t, m], axis=1)
    out = x @ W.T + b
    return out.squeeze(1)

if __name__ == "__main__":
    import jax
    _d = setup_inputs()
    print(jax.jit(kernel)(*tuple(_d.values())))

</pallas_src>

<mosaic_0001>
#map = affine_map<(d0, d1) -> (0)>
module attributes {stable_mosaic.version = 14 : i64} {
  func.func @_sc_gather_body(%arg0: i32, %arg1: i32, %arg2: memref<100000xf32, #tpu.memory_space<hbm>>, %arg3: memref<1000xf32, #tpu.memory_space<hbm>>, %arg4: memref<16384xi32, #tpu.memory_space<hbm>>, %arg5: memref<16384xi32, #tpu.memory_space<hbm>>, %arg6: memref<16384xf32, #tpu.memory_space<hbm>>, %arg7: memref<512xi32, #tpu.memory_space<vmem>>, %arg8: memref<512xi32, #tpu.memory_space<vmem>>, %arg9: memref<512xf32, #tpu.memory_space<vmem>>, %arg10: memref<1000xf32, #tpu.memory_space<vmem>>, %arg11: memref<512xf32, #tpu.memory_space<vmem>>, %arg12: memref<100000xf32, #tpu.memory_space<vmem>>, %arg13: memref<100000xf32, #tpu.memory_space<vmem_shared>>, %arg14: memref<!tpu.dma_semaphore, #tpu.memory_space<semaphore_mem>>) attributes {dimension_semantics = [#tpu.dimension_semantics<core_parallel>, #tpu.dimension_semantics<subcore_parallel>], iteration_bounds = array<i64: 2, 16>, scalar_prefetch = 0 : i64, scratch_operands = 8 : i64, tpu.core_type = #tpu.core_type<sc_vector_subcore>, window_params = [{transform_indices = #map}, {transform_indices = #map}, {transform_indices = #map}, {transform_indices = #map}, {transform_indices = #map}]} {
    %mul3A = arith.constant 2 : i32
    %mul3A_0 = arith.muli %arg1, %mul3A : i32
    %add3A = arith.addi %mul3A_0, %arg0 : i32
    %mul3A_1 = arith.constant 512 : i32
    %mul3A_2 = arith.muli %add3A, %mul3A_1 : i32
    "tpu.region"() ({
      %run_scoped3A = tpu.sem_alloc : memref<!tpu.dma_semaphore, #tpu.memory_space<semaphore_mem>>
      %dma_start3A_260 = tpu.memref_slice %arg4[%mul3A_2] : memref<16384xi32, #tpu.memory_space<hbm>> -> memref<512xi32, #tpu.memory_space<hbm>>
      %dma_start3A_261 = tpu.memref_slice %arg4[%mul3A_2] : memref<16384xi32, #tpu.memory_space<hbm>> -> memref<512xi32, #tpu.memory_space<hbm>>
      tpu.enqueue_dma source(%dma_start3A_261 : memref<512xi32, #tpu.memory_space<hbm>>) target(%arg7 : memref<512xi32, #tpu.memory_space<vmem>>) target_semaphore(%run_scoped3A : memref<!tpu.dma_semaphore, #tpu.memory_space<semaphore_mem>>)
      %dma_wait3A_262 = tpu.memref_slice %arg4[%mul3A_2] : memref<16384xi32, #tpu.memory_space<hbm>> -> memref<512xi32, #tpu.memory_space<hbm>>
      %dma_wait3A_263 = tpu.memref_slice %arg4[%mul3A_2] : memref<16384xi32, #tpu.memory_space<hbm>> -> memref<512xi32, #tpu.memory_space<hbm>>
      tpu.wait_dma2 semaphore(%run_scoped3A : memref<!tpu.dma_semaphore, #tpu.memory_space<semaphore_mem>>) src(%dma_wait3A_263 : memref<512xi32, #tpu.memory_space<hbm>>) dst(%arg7 : memref<512xi32, #tpu.memory_space<vmem>>)
      tpu.yield
    }) : () -> ()
    "tpu.region"() ({
      %run_scoped3A = tpu.sem_alloc : memref<!tpu.dma_semaphore, #tpu.memory_space<semaphore_mem>>
      %dma_start3A_260 = tpu.memref_slice %arg5[%mul3A_2] : memref<16384xi32, #tpu.memory_space<hbm>> -> memref<512xi32, #tpu.memory_space<hbm>>
      %dma_start3A_261 = tpu.memref_slice %arg5[%mul3A_2] : memref<16384xi32, #tpu.memory_space<hbm>> -> memref<512xi32, #tpu.memory_space<hbm>>
      tpu.enqueue_dma source(%dma_start3A_261 : memref<512xi32, #tpu.memory_space<hbm>>) target(%arg8 : memref<512xi32, #tpu.memory_space<vmem>>) target_semaphore(%run_scoped3A : memref<!tpu.dma_semaphore, #tpu.memory_space<semaphore_mem>>)
      %dma_wait3A_262 = tpu.memref_slice %arg5[%mul3A_2] : memref<16384xi32, #tpu.memory_space<hbm>> -> memref<512xi32, #tpu.memory_space<hbm>>
      %dma_wait3A_263 = tpu.memref_slice %arg5[%mul3A_2] : memref<16384xi32, #tpu.memory_space<hbm>> -> memref<512xi32, #tpu.memory_space<hbm>>
      tpu.wait_dma2 semaphore(%run_scoped3A : memref<!tpu.dma_semaphore, #tpu.memory_space<semaphore_mem>>) src(%dma_wait3A_263 : memref<512xi32, #tpu.memory_space<hbm>>) dst(%arg8 : memref<512xi32, #tpu.memory_space<vmem>>)
      tpu.yield
    }) : () -> ()
    "tpu.region"() ({
      %run_scoped3A = tpu.sem_alloc : memref<!tpu.dma_semaphore, #tpu.memory_space<semaphore_mem>>
      tpu.enqueue_dma source(%arg3 : memref<1000xf32, #tpu.memory_space<hbm>>) target(%arg10 : memref<1000xf32, #tpu.memory_space<vmem>>) target_semaphore(%run_scoped3A : memref<!tpu.dma_semaphore, #tpu.memory_space<semaphore_mem>>)
      tpu.wait_dma2 semaphore(%run_scoped3A : memref<!tpu.dma_semaphore, #tpu.memory_space<semaphore_mem>>) src(%arg3 : memref<1000xf32, #tpu.memory_space<hbm>>) dst(%arg10 : memref<1000xf32, #tpu.memory_space<vmem>>)
      tpu.yield
    }) : () -> ()
    %eq3A = arith.constant 0 : i32
    %eq3A_3 = arith.cmpi eq, %arg1, %eq3A : i32
    %convert_element_type3A = arith.extui %eq3A_3 : i1 to i32
    %cond3A = arith.constant 0 : i32
    %cond3A_4 = arith.cmpi ne, %convert_element_type3A, %cond3A : i32
    scf.if %cond3A_4 {
      "tpu.region"() ({
        %run_scoped3A = tpu.sem_alloc : memref<!tpu.dma_semaphore, #tpu.memory_space<semaphore_mem>>
        tpu.enqueue_dma source(%arg2 : memref<100000xf32, #tpu.memory_space<hbm>>) target(%arg12 : memref<100000xf32, #tpu.memory_space<vmem>>) target_semaphore(%run_scoped3A : memref<!tpu.dma_semaphore, #tpu.memory_space<semaphore_mem>>)
        tpu.wait_dma2 semaphore(%run_scoped3A : memref<!tpu.dma_semaphore, #tpu.memory_space<semaphore_mem>>) src(%arg2 : memref<100000xf32, #tpu.memory_space<hbm>>) dst(%arg12 : memref<100000xf32, #tpu.memory_space<vmem>>)
        tpu.yield
      }) : () -> ()
      "tpu.region"() ({
        %run_scoped3A = tpu.sem_alloc : memref<!tpu.dma_semaphore, #tpu.memory_space<semaphore_mem>>
        tpu.enqueue_dma source(%arg12 : memref<100000xf32, #tpu.memory_space<vmem>>) target(%arg13 : memref<100000xf32, #tpu.memory_space<vmem_shared>>) target_semaphore(%run_scoped3A : memref<!tpu.dma_semaphore, #tpu.memory_space<semaphore_mem>>)
        tpu.wait_dma2 semaphore(%run_scoped3A : memref<!tpu.dma_semaphore, #tpu.memory_space<semaphore_mem>>) src(%arg12 : memref<100000xf32, #tpu.memory_space<vmem>>) dst(%arg13 : memref<100000xf32, #tpu.memory_space<vmem_shared>>)
        tpu.yield
      }) : () -> ()
    } else {
    }
    %barrier3A = arith.constant 0 : index
    tpu.barrier barrier_id(%barrier3A)
    %dma_start3A = arith.constant 0 : i32
    %dma_start3A_5 = tpu.memref_slice %arg13[%dma_start3A] : memref<100000xf32, #tpu.memory_space<vmem_shared>> -> memref<100000xf32, #tpu.memory_space<vmem_shared>>
    tpu.enqueue_indirect_dma source(%dma_start3A_5 : memref<100000xf32, #tpu.memory_space<vmem_shared>>) target(%arg9 : memref<512xf32, #tpu.memory_space<vmem>>) offsets(%arg7 : memref<512xi32, #tpu.memory_space<vmem>>) semaphore(%arg14 : memref<!tpu.dma_semaphore, #tpu.memory_space<semaphore_mem>>)
    %dma_wait3A = arith.constant 0 : i32
    %dma_wait3A_6 = tpu.memref_slice %arg13[%dma_wait3A] : memref<100000xf32, #tpu.memory_space<vmem_shared>> -> memref<100000xf32, #tpu.memory_space<vmem_shared>>
    tpu.wait_indirect_dma semaphore(%arg14 : memref<!tpu.dma_semaphore, #tpu.memory_space<semaphore_mem>>) src(%dma_wait3A_6 : memref<100000xf32, #tpu.memory_space<vmem_shared>>) dst(%arg9 : memref<512xf32, #tpu.memory_space<vmem>>)
    %get3A = arith.constant 0 : index
    %get3A_7 = tpu.vector_load %arg8[%get3A] {strides = array<i32>} : memref<512xi32, #tpu.memory_space<vmem>>, vector<16xi32>,
    %gather3A = tpu.vector_load_idx %arg10[%get3A_7] : memref<1000xf32, #tpu.memory_space<vmem>>[vector<16xi32>], vector<16xf32>,
    %get3A_8 = arith.constant 0 : index
    %get3A_9 = tpu.vector_load %arg9[%get3A_8] {strides = array<i32>} : memref<512xf32, #tpu.memory_space<vmem>>, vector<16xf32>,
    %add3A_10 = arith.addf %get3A_9, %gather3A : vector<16xf32>
    %swap3A = arith.constant 0 : index
    %swap3A_11 = tpu.vector_load %arg11[%swap3A] {strides = array<i32>} : memref<512xf32, #tpu.memory_space<vmem>>, vector<16xf32>,
    tpu.vector_store %arg11[%swap3A], %add3A_10 {strides = array<i32>} : memref<512xf32, #tpu.memory_space<vmem>>, vector<16xf32>,
    %get3A_12 = arith.constant 16 : index
    %get3A_13 = tpu.vector_load %arg8[%get3A_12] {strides = array<i32>} : memref<512xi32, #tpu.memory_space<vmem>>, vector<16xi32>,
    %gather3A_14 = tpu.vector_load_idx %arg10[%get3A_13] : memref<1000xf32, #tpu.memory_space<vmem>>[vector<16xi32>], vector<16xf32>,
    %get3A_15 = arith.constant 16 : index
    %get3A_16 = tpu.vector_load %arg9[%get3A_15] {strides = array<i32>} : memref<512xf32, #tpu.memory_space<vmem>>, vector<16xf32>,
    %add3A_17 = arith.addf %get3A_16, %gather3A_14 : vector<16xf32>
    %swap3A_18 = arith.constant 16 : index
    %swap3A_19 = tpu.vector_load %arg11[%swap3A_18] {strides = array<i32>} : memref<512xf32, #tpu.memory_space<vmem>>, vector<16xf32>,
    tpu.vector_store %arg11[%swap3A_18], %add3A_17 {strides = array<i32>} : memref<512xf32, #tpu.memory_space<vmem>>, vector<16xf32>,
    %get3A_20 = arith.constant 32 : index
    %get3A_21 = tpu.vector_load %arg8[%get3A_20] {strides = array<i32>} : memref<512xi32, #tpu.memory_space<vmem>>, vector<16xi32>,
    %gather3A_22 = tpu.vector_load_idx %arg10[%get3A_21] : memref<1000xf32, #tpu.memory_space<vmem>>[vector<16xi32>], vector<16xf32>,
    %get3A_23 = arith.constant 32 : index
    %get3A_24 = tpu.vector_load %arg9[%get3A_23] {strides = array<i32>} : memref<512xf32, #tpu.memory_space<vmem>>, vector<16xf32>,
    %add3A_25 = arith.addf %get3A_24, %gather3A_22 : vector<16xf32>
    %swap3A_26 = arith.constant 32 : index
    %swap3A_27 = tpu.vector_load %arg11[%swap3A_26] {strides = array<i32>} : memref<512xf32, #tpu.memory_space<vmem>>, vector<16xf32>,
    tpu.vector_store %arg11[%swap3A_26], %add3A_25 {strides = array<i32>} : memref<512xf32, #tpu.memory_space<vmem>>, vector<16xf32>,
    %get3A_28 = arith.constant 48 : index
    %get3A_29 = tpu.vector_load %arg8[%get3A_28] {strides = array<i32>} : memref<512xi32, #tpu.memory_space<vmem>>, vector<16xi32>,
    %gather3A_30 = tpu.vector_load_idx %arg10[%get3A_29] : memref<1000xf32, #tpu.memory_space<vmem>>[vector<16xi32>], vector<16xf32>,
    %get3A_31 = arith.constant 48 : index
    %get3A_32 = tpu.vector_load %arg9[%get3A_31] {strides = array<i32>} : memref<512xf32, #tpu.memory_space<vmem>>, vector<16xf32>,
    %add3A_33 = arith.addf %get3A_32, %gather3A_30 : vector<16xf32>
    %swap3A_34 = arith.constant 48 : index
    %swap3A_35 = tpu.vector_load %arg11[%swap3A_34] {strides = array<i32>} : memref<512xf32, #tpu.memory_space<vmem>>, vector<16xf32>,
    tpu.vector_store %arg11[%swap3A_34], %add3A_33 {strides = array<i32>} : memref<512xf32, #tpu.memory_space<vmem>>, vector<16xf32>,
    %get3A_36 = arith.constant 64 : index
    %get3A_37 = tpu.vector_load %arg8[%get3A_36] {strides = array<i32>} : memref<512xi32, #tpu.memory_space<vmem>>, vector<16xi32>,
    %gather3A_38 = tpu.vector_load_idx %arg10[%get3A_37] : memref<1000xf32, #tpu.memory_space<vmem>>[vector<16xi32>], vector<16xf32>,
    %get3A_39 = arith.constant 64 : index
    %get3A_40 = tpu.vector_load %arg9[%get3A_39] {strides = array<i32>} : memref<512xf32, #tpu.memory_space<vmem>>, vector<16xf32>,
    %add3A_41 = arith.addf %get3A_40, %gather3A_38 : vector<16xf32>
    %swap3A_42 = arith.constant 64 : index
    %swap3A_43 = tpu.vector_load %arg11[%swap3A_42] {strides = array<i32>} : memref<512xf32, #tpu.memory_space<vmem>>, vector<16xf32>,
    tpu.vector_store %arg11[%swap3A_42], %add3A_41 {strides = array<i32>} : memref<512xf32, #tpu.memory_space<vmem>>, vector<16xf32>,
    %get3A_44 = arith.constant 80 : index
    %get3A_45 = tpu.vector_load %arg8[%get3A_44] {strides = array<i32>} : memref<512xi32, #tpu.memory_space<vmem>>, vector<16xi32>,
    %gather3A_46 = tpu.vector_load_idx %arg10[%get3A_45] : memref<1000xf32, #tpu.memory_space<vmem>>[vector<16xi32>], vector<16xf32>,
    %get3A_47 = arith.constant 80 : index
    %get3A_48 = tpu.vector_load %arg9[%get3A_47] {strides = array<i32>} : memref<512xf32, #tpu.memory_space<vmem>>, vector<16xf32>,
    %add3A_49 = arith.addf %get3A_48, %gather3A_46 : vector<16xf32>
    %swap3A_50 = arith.constant 80 : index
    %swap3A_51 = tpu.vector_load %arg11[%swap3A_50] {strides = array<i32>} : memref<512xf32, #tpu.memory_space<vmem>>, vector<16xf32>,
    tpu.vector_store %arg11[%swap3A_50], %add3A_49 {strides = array<i32>} : memref<512xf32, #tpu.memory_space<vmem>>, vector<16xf32>,
    %get3A_52 = arith.constant 96 : index
    %get3A_53 = tpu.vector_load %arg8[%get3A_52] {strides = array<i32>} : memref<512xi32, #tpu.memory_space<vmem>>, vector<16xi32>,
    %gather3A_54 = tpu.vector_load_idx %arg10[%get3A_53] : memref<1000xf32, #tpu.memory_space<vmem>>[vector<16xi32>], vector<16xf32>,
    %get3A_55 = arith.constant 96 : index
    %get3A_56 = tpu.vector_load %arg9[%get3A_55] {strides = array<i32>} : memref<512xf32, #tpu.memory_space<vmem>>, vector<16xf32>,
    %add3A_57 = arith.addf %get3A_56, %gather3A_54 : vector<16xf32>
    %swap3A_58 = arith.constant 96 : index
    %swap3A_59 = tpu.vector_load %arg11[%swap3A_58] {strides = array<i32>} : memref<512xf32, #tpu.memory_space<vmem>>, vector<16xf32>,
    tpu.vector_store %arg11[%swap3A_58], %add3A_57 {strides = array<i32>} : memref<512xf32, #tpu.memory_space<vmem>>, vector<16xf32>,
    %get3A_60 = arith.constant 112 : index
    %get3A_61 = tpu.vector_load %arg8[%get3A_60] {strides = array<i32>} : memref<512xi32, #tpu.memory_space<vmem>>, vector<16xi32>,
    %gather3A_62 = tpu.vector_load_idx %arg10[%get3A_61] : memref<1000xf32, #tpu.memory_space<vmem>>[vector<16xi32>], vector<16xf32>,
    %get3A_63 = arith.constant 112 : index
    %get3A_64 = tpu.vector_load %arg9[%get3A_63] {strides = array<i32>} : memref<512xf32, #tpu.memory_space<vmem>>, vector<16xf32>,
    %add3A_65 = arith.addf %get3A_64, %gather3A_62 : vector<16xf32>
    %swap3A_66 = arith.constant 112 : index
    %swap3A_67 = tpu.vector_load %arg11[%swap3A_66] {strides = array<i32>} : memref<512xf32, #tpu.memory_space<vmem>>, vector<16xf32>,
    tpu.vector_store %arg11[%swap3A_66], %add3A_65 {strides = array<i32>} : memref<512xf32, #tpu.memory_space<vmem>>, vector<16xf32>,
    %get3A_68 = arith.constant 128 : index
    %get3A_69 = tpu.vector_load %arg8[%get3A_68] {strides = array<i32>} : memref<512xi32, #tpu.memory_space<vmem>>, vector<16xi32>,
    %gather3A_70 = tpu.vector_load_idx %arg10[%get3A_69] : memref<1000xf32, #tpu.memory_space<vmem>>[vector<16xi32>], vector<16xf32>,
    %get3A_71 = arith.constant 128 : index
    %get3A_72 = tpu.vector_load %arg9[%get3A_71] {strides = array<i32>} : memref<512xf32, #tpu.memory_space<vmem>>, vector<16xf32>,
    %add3A_73 = arith.addf %get3A_72, %gather3A_70 : vector<16xf32>
    %swap3A_74 = arith.constant 128 : index
    %swap3A_75 = tpu.vector_load %arg11[%swap3A_74] {strides = array<i32>} : memref<512xf32, #tpu.memory_space<vmem>>, vector<16xf32>,
    tpu.vector_store %arg11[%swap3A_74], %add3A_73 {strides = array<i32>} : memref<512xf32, #tpu.memory_space<vmem>>, vector<16xf32>,
    %get3A_76 = arith.constant 144 : index
    %get3A_77 = tpu.vector_load %arg8[%get3A_76] {strides = array<i32>} : memref<512xi32, #tpu.memory_space<vmem>>, vector<16xi32>,
    %gather3A_78 = tpu.vector_load_idx %arg10[%get3A_77] : memref<1000xf32, #tpu.memory_space<vmem>>[vector<16xi32>], vector<16xf32>,
    %get3A_79 = arith.constant 144 : index
    %get3A_80 = tpu.vector_load %arg9[%get3A_79] {strides = array<i32>} : memref<512xf32, #tpu.memory_space<vmem>>, vector<16xf32>,
    %add3A_81 = arith.addf %get3A_80, %gather3A_78 : vector<16xf32>
    %swap3A_82 = arith.constant 144 : index
    %swap3A_83 = tpu.vector_load %arg11[%swap3A_82] {strides = array<i32>} : memref<512xf32, #tpu.memory_space<vmem>>, vector<16xf32>,
    tpu.vector_store %arg11[%swap3A_82], %add3A_81 {strides = array<i32>} : memref<512xf32, #tpu.memory_space<vmem>>, vector<16xf32>,
    %get3A_84 = arith.constant 160 : index
    %get3A_85 = tpu.vector_load %arg8[%get3A_84] {strides = array<i32>} : memref<512xi32, #tpu.memory_space<vmem>>, vector<16xi32>,
    %gather3A_86 = tpu.vector_load_idx %arg10[%get3A_85] : memref<1000xf32, #tpu.memory_space<vmem>>[vector<16xi32>], vector<16xf32>,
    %get3A_87 = arith.constant 160 : index
    %get3A_88 = tpu.vector_load %arg9[%get3A_87] {strides = array<i32>} : memref<512xf32, #tpu.memory_space<vmem>>, vector<16xf32>,
    %add3A_89 = arith.addf %get3A_88, %gather3A_86 : vector<16xf32>
    %swap3A_90 = arith.constant 160 : index
    %swap3A_91 = tpu.vector_load %arg11[%swap3A_90] {strides = array<i32>} : memref<512xf32, #tpu.memory_space<vmem>>, vector<16xf32>,
    tpu.vector_store %arg11[%swap3A_90], %add3A_89 {strides = array<i32>} : memref<512xf32, #tpu.memory_space<vmem>>, vector<16xf32>,
    %get3A_92 = arith.constant 176 : index
    %get3A_93 = tpu.vector_load %arg8[%get3A_92] {strides = array<i32>} : memref<512xi32, #tpu.memory_space<vmem>>, vector<16xi32>,
    %gather3A_94 = tpu.vector_load_idx %arg10[%get3A_93] : memref<1000xf32, #tpu.memory_space<vmem>>[vector<16xi32>], vector<16xf32>,
    %get3A_95 = arith.constant 176 : index
    %get3A_96 = tpu.vector_load %arg9[%get3A_95] {strides = array<i32>} : memref<512xf32, #tpu.memory_space<vmem>>, vector<16xf32>,
    %add3A_97 = arith.addf %get3A_96, %gather3A_94 : vector<16xf32>
    %swap3A_98 = arith.constant 176 : index
    %swap3A_99 = tpu.vector_load %arg11[%swap3A_98] {strides = array<i32>} : memref<512xf32, #tpu.memory_space<vmem>>, vector<16xf32>,
    tpu.vector_store %arg11[%swap3A_98], %add3A_97 {strides = array<i32>} : memref<512xf32, #tpu.memory_space<vmem>>, vector<16xf32>,
    %get3A_100 = arith.constant 192 : index
    %get3A_101 = tpu.vector_load %arg8[%get3A_100] {strides = array<i32>} : memref<512xi32, #tpu.memory_space<vmem>>, vector<16xi32>,
    %gather3A_102 = tpu.vector_load_idx %arg10[%get3A_101] : memref<1000xf32, #tpu.memory_space<vmem>>[vector<16xi32>], vector<16xf32>,
    %get3A_103 = arith.constant 192 : index
    %get3A_104 = tpu.vector_load %arg9[%get3A_103] {strides = array<i32>} : memref<512xf32, #tpu.memory_space<vmem>>, vector<16xf32>,
    %add3A_105 = arith.addf %get3A_104, %gather3A_102 : vector<16xf32>
    %swap3A_106 = arith.constant 192 : index
    %swap3A_107 = tpu.vector_load %arg11[%swap3A_106] {strides = array<i32>} : memref<512xf32, #tpu.memory_space<vmem>>, vector<16xf32>,
    tpu.vector_store %arg11[%swap3A_106], %add3A_105 {strides = array<i32>} : memref<512xf32, #tpu.memory_space<vmem>>, vector<16xf32>,
    %get3A_108 = arith.constant 208 : index
    %get3A_109 = tpu.vector_load %arg8[%get3A_108] {strides = array<i32>} : memref<512xi32, #tpu.memory_space<vmem>>, vector<16xi32>,
    %gather3A_110 = tpu.vector_load_idx %arg10[%get3A_109] : memref<1000xf32, #tpu.memory_space<vmem>>[vector<16xi32>], vector<16xf32>,
    %get3A_111 = arith.constant 208 : index
    %get3A_112 = tpu.vector_load %arg9[%get3A_111] {strides = array<i32>} : memref<512xf32, #tpu.memory_space<vmem>>, vector<16xf32>,
    %add3A_113 = arith.addf %get3A_112, %gather3A_110 : vector<16xf32>
    %swap3A_114 = arith.constant 208 : index
    %swap3A_115 = tpu.vector_load %arg11[%swap3A_114] {strides = array<i32>} : memref<512xf32, #tpu.memory_space<vmem>>, vector<16xf32>,
    tpu.vector_store %arg11[%swap3A_114], %add3A_113 {strides = array<i32>} : memref<512xf32, #tpu.memory_space<vmem>>, vector<16xf32>,
    %get3A_116 = arith.constant 224 : index
    %get3A_117 = tpu.vector_load %arg8[%get3A_116] {strides = array<i32>} : memref<512xi32, #tpu.memory_space<vmem>>, vector<16xi32>,
    %gather3A_118 = tpu.vector_load_idx %arg10[%get3A_117] : memref<1000xf32, #tpu.memory_space<vmem>>[vector<16xi32>], vector<16xf32>,
    %get3A_119 = arith.constant 224 : index
    %get3A_120 = tpu.vector_load %arg9[%get3A_119] {strides = array<i32>} : memref<512xf32, #tpu.memory_space<vmem>>, vector<16xf32>,
    %add3A_121 = arith.addf %get3A_120, %gather3A_118 : vector<16xf32>
    %swap3A_122 = arith.constant 224 : index
    %swap3A_123 = tpu.vector_load %arg11[%swap3A_122] {strides = array<i32>} : memref<512xf32, #tpu.memory_space<vmem>>, vector<16xf32>,
    tpu.vector_store %arg11[%swap3A_122], %add3A_121 {strides = array<i32>} : memref<512xf32, #tpu.memory_space<vmem>>, vector<16xf32>,
    %get3A_124 = arith.constant 240 : index
    %get3A_125 = tpu.vector_load %arg8[%get3A_124] {strides = array<i32>} : memref<512xi32, #tpu.memory_space<vmem>>, vector<16xi32>,
    %gather3A_126 = tpu.vector_load_idx %arg10[%get3A_125] : memref<1000xf32, #tpu.memory_space<vmem>>[vector<16xi32>], vector<16xf32>,
    %get3A_127 = arith.constant 240 : index
    %get3A_128 = tpu.vector_load %arg9[%get3A_127] {strides = array<i32>} : memref<512xf32, #tpu.memory_space<vmem>>, vector<16xf32>,
    %add3A_129 = arith.addf %get3A_128, %gather3A_126 : vector<16xf32>
    %swap3A_130 = arith.constant 240 : index
    %swap3A_131 = tpu.vector_load %arg11[%swap3A_130] {strides = array<i32>} : memref<512xf32, #tpu.memory_space<vmem>>, vector<16xf32>,
    tpu.vector_store %arg11[%swap3A_130], %add3A_129 {strides = array<i32>} : memref<512xf32, #tpu.memory_space<vmem>>, vector<16xf32>,
    %get3A_132 = arith.constant 256 : index
    %get3A_133 = tpu.vector_load %arg8[%get3A_132] {strides = array<i32>} : memref<512xi32, #tpu.memory_space<vmem>>, vector<16xi32>,
    %gather3A_134 = tpu.vector_load_idx %arg10[%get3A_133] : memref<1000xf32, #tpu.memory_space<vmem>>[vector<16xi32>], vector<16xf32>,
    %get3A_135 = arith.constant 256 : index
    %get3A_136 = tpu.vector_load %arg9[%get3A_135] {strides = array<i32>} : memref<512xf32, #tpu.memory_space<vmem>>, vector<16xf32>,
    %add3A_137 = arith.addf %get3A_136, %gather3A_134 : vector<16xf32>
    %swap3A_138 = arith.constant 256 : index
    %swap3A_139 = tpu.vector_load %arg11[%swap3A_138] {strides = array<i32>} : memref<512xf32, #tpu.memory_space<vmem>>, vector<16xf32>,
    tpu.vector_store %arg11[%swap3A_138], %add3A_137 {strides = array<i32>} : memref<512xf32, #tpu.memory_space<vmem>>, vector<16xf32>,
    %get3A_140 = arith.constant 272 : index
    %get3A_141 = tpu.vector_load %arg8[%get3A_140] {strides = array<i32>} : memref<512xi32, #tpu.memory_space<vmem>>, vector<16xi32>,
    %gather3A_142 = tpu.vector_load_idx %arg10[%get3A_141] : memref<1000xf32, #tpu.memory_space<vmem>>[vector<16xi32>], vector<16xf32>,
    %get3A_143 = arith.constant 272 : index
    %get3A_144 = tpu.vector_load %arg9[%get3A_143] {strides = array<i32>} : memref<512xf32, #tpu.memory_space<vmem>>, vector<16xf32>,
    %add3A_145 = arith.addf %get3A_144, %gather3A_142 : vector<16xf32>
    %swap3A_146 = arith.constant 272 : index
    %swap3A_147 = tpu.vector_load %arg11[%swap3A_146] {strides = array<i32>} : memref<512xf32, #tpu.memory_space<vmem>>, vector<16xf32>,
    tpu.vector_store %arg11[%swap3A_146], %add3A_145 {strides = array<i32>} : memref<512xf32, #tpu.memory_space<vmem>>, vector<16xf32>,
    %get3A_148 = arith.constant 288 : index
    %get3A_149 = tpu.vector_load %arg8[%get3A_148] {strides = array<i32>} : memref<512xi32, #tpu.memory_space<vmem>>, vector<16xi32>,
    %gather3A_150 = tpu.vector_load_idx %arg10[%get3A_149] : memref<1000xf32, #tpu.memory_space<vmem>>[vector<16xi32>], vector<16xf32>,
    %get3A_151 = arith.constant 288 : index
    %get3A_152 = tpu.vector_load %arg9[%get3A_151] {strides = array<i32>} : memref<512xf32, #tpu.memory_space<vmem>>, vector<16xf32>,
    %add3A_153 = arith.addf %get3A_152, %gather3A_150 : vector<16xf32>
    %swap3A_154 = arith.constant 288 : index
    %swap3A_155 = tpu.vector_load %arg11[%swap3A_154] {strides = array<i32>} : memref<512xf32, #tpu.memory_space<vmem>>, vector<16xf32>,
    tpu.vector_store %arg11[%swap3A_154], %add3A_153 {strides = array<i32>} : memref<512xf32, #tpu.memory_space<vmem>>, vector<16xf32>,
    %get3A_156 = arith.constant 304 : index
    %get3A_157 = tpu.vector_load %arg8[%get3A_156] {strides = array<i32>} : memref<512xi32, #tpu.memory_space<vmem>>, vector<16xi32>,
    %gather3A_158 = tpu.vector_load_idx %arg10[%get3A_157] : memref<1000xf32, #tpu.memory_space<vmem>>[vector<16xi32>], vector<16xf32>,
    %get3A_159 = arith.constant 304 : index
    %get3A_160 = tpu.vector_load %arg9[%get3A_159] {strides = array<i32>} : memref<512xf32, #tpu.memory_space<vmem>>, vector<16xf32>,
    %add3A_161 = arith.addf %get3A_160, %gather3A_158 : vector<16xf32>
    %swap3A_162 = arith.constant 304 : index
    %swap3A_163 = tpu.vector_load %arg11[%swap3A_162] {strides = array<i32>} : memref<512xf32, #tpu.memory_space<vmem>>, vector<16xf32>,
    tpu.vector_store %arg11[%swap3A_162], %add3A_161 {strides = array<i32>} : memref<512xf32, #tpu.memory_space<vmem>>, vector<16xf32>,
    %get3A_164 = arith.constant 320 : index
    %get3A_165 = tpu.vector_load %arg8[%get3A_164] {strides = array<i32>} : memref<512xi32, #tpu.memory_space<vmem>>, vector<16xi32>,
    %gather3A_166 = tpu.vector_load_idx %arg10[%get3A_165] : memref<1000xf32, #tpu.memory_space<vmem>>[vector<16xi32>], vector<16xf32>,
    %get3A_167 = arith.constant 320 : index
    %get3A_168 = tpu.vector_load %arg9[%get3A_167] {strides = array<i32>} : memref<512xf32, #tpu.memory_space<vmem>>, vector<16xf32>,
    %add3A_169 = arith.addf %get3A_168, %gather3A_166 : vector<16xf32>
    %swap3A_170 = arith.constant 320 : index
    %swap3A_171 = tpu.vector_load %arg11[%swap3A_170] {strides = array<i32>} : memref<512xf32, #tpu.memory_space<vmem>>, vector<16xf32>,
    tpu.vector_store %arg11[%swap3A_170], %add3A_169 {strides = array<i32>} : memref<512xf32, #tpu.memory_space<vmem>>, vector<16xf32>,
    %get3A_172 = arith.constant 336 : index
    %get3A_173 = tpu.vector_load %arg8[%get3A_172] {strides = array<i32>} : memref<512xi32, #tpu.memory_space<vmem>>, vector<16xi32>,
    %gather3A_174 = tpu.vector_load_idx %arg10[%get3A_173] : memref<1000xf32, #tpu.memory_space<vmem>>[vector<16xi32>], vector<16xf32>,
    %get3A_175 = arith.constant 336 : index
    %get3A_176 = tpu.vector_load %arg9[%get3A_175] {strides = array<i32>} : memref<512xf32, #tpu.memory_space<vmem>>, vector<16xf32>,
    %add3A_177 = arith.addf %get3A_176, %gather3A_174 : vector<16xf32>
    %swap3A_178 = arith.constant 336 : index
    %swap3A_179 = tpu.vector_load %arg11[%swap3A_178] {strides = array<i32>} : memref<512xf32, #tpu.memory_space<vmem>>, vector<16xf32>,
    tpu.vector_store %arg11[%swap3A_178], %add3A_177 {strides = array<i32>} : memref<512xf32, #tpu.memory_space<vmem>>, vector<16xf32>,
    %get3A_180 = arith.constant 352 : index
    %get3A_181 = tpu.vector_load %arg8[%get3A_180] {strides = array<i32>} : memref<512xi32, #tpu.memory_space<vmem>>, vector<16xi32>,
    %gather3A_182 = tpu.vector_load_idx %arg10[%get3A_181] : memref<1000xf32, #tpu.memory_space<vmem>>[vector<16xi32>], vector<16xf32>,
    %get3A_183 = arith.constant 352 : index
    %get3A_184 = tpu.vector_load %arg9[%get3A_183] {strides = array<i32>} : memref<512xf32, #tpu.memory_space<vmem>>, vector<16xf32>,
    %add3A_185 = arith.addf %get3A_184, %gather3A_182 : vector<16xf32>
    %swap3A_186 = arith.constant 352 : index
    %swap3A_187 = tpu.vector_load %arg11[%swap3A_186] {strides = array<i32>} : memref<512xf32, #tpu.memory_space<vmem>>, vector<16xf32>,
    tpu.vector_store %arg11[%swap3A_186], %add3A_185 {strides = array<i32>} : memref<512xf32, #tpu.memory_space<vmem>>, vector<16xf32>,
    %get3A_188 = arith.constant 368 : index
    %get3A_189 = tpu.vector_load %arg8[%get3A_188] {strides = array<i32>} : memref<512xi32, #tpu.memory_space<vmem>>, vector<16xi32>,
    %gather3A_190 = tpu.vector_load_idx %arg10[%get3A_189] : memref<1000xf32, #tpu.memory_space<vmem>>[vector<16xi32>], vector<16xf32>,
    %get3A_191 = arith.constant 368 : index
    %get3A_192 = tpu.vector_load %arg9[%get3A_191] {strides = array<i32>} : memref<512xf32, #tpu.memory_space<vmem>>, vector<16xf32>,
    %add3A_193 = arith.addf %get3A_192, %gather3A_190 : vector<16xf32>
    %swap3A_194 = arith.constant 368 : index
    %swap3A_195 = tpu.vector_load %arg11[%swap3A_194] {strides = array<i32>} : memref<512xf32, #tpu.memory_space<vmem>>, vector<16xf32>,
    tpu.vector_store %arg11[%swap3A_194], %add3A_193 {strides = array<i32>} : memref<512xf32, #tpu.memory_space<vmem>>, vector<16xf32>,
    %get3A_196 = arith.constant 384 : index
    %get3A_197 = tpu.vector_load %arg8[%get3A_196] {strides = array<i32>} : memref<512xi32, #tpu.memory_space<vmem>>, vector<16xi32>,
    %gather3A_198 = tpu.vector_load_idx %arg10[%get3A_197] : memref<1000xf32, #tpu.memory_space<vmem>>[vector<16xi32>], vector<16xf32>,
    %get3A_199 = arith.constant 384 : index
    %get3A_200 = tpu.vector_load %arg9[%get3A_199] {strides = array<i32>} : memref<512xf32, #tpu.memory_space<vmem>>, vector<16xf32>,
    %add3A_201 = arith.addf %get3A_200, %gather3A_198 : vector<16xf32>
    %swap3A_202 = arith.constant 384 : index
    %swap3A_203 = tpu.vector_load %arg11[%swap3A_202] {strides = array<i32>} : memref<512xf32, #tpu.memory_space<vmem>>, vector<16xf32>,
    tpu.vector_store %arg11[%swap3A_202], %add3A_201 {strides = array<i32>} : memref<512xf32, #tpu.memory_space<vmem>>, vector<16xf32>,
    %get3A_204 = arith.constant 400 : index
    %get3A_205 = tpu.vector_load %arg8[%get3A_204] {strides = array<i32>} : memref<512xi32, #tpu.memory_space<vmem>>, vector<16xi32>,
    %gather3A_206 = tpu.vector_load_idx %arg10[%get3A_205] : memref<1000xf32, #tpu.memory_space<vmem>>[vector<16xi32>], vector<16xf32>,
    %get3A_207 = arith.constant 400 : index
    %get3A_208 = tpu.vector_load %arg9[%get3A_207] {strides = array<i32>} : memref<512xf32, #tpu.memory_space<vmem>>, vector<16xf32>,
    %add3A_209 = arith.addf %get3A_208, %gather3A_206 : vector<16xf32>
    %swap3A_210 = arith.constant 400 : index
    %swap3A_211 = tpu.vector_load %arg11[%swap3A_210] {strides = array<i32>} : memref<512xf32, #tpu.memory_space<vmem>>, vector<16xf32>,
    tpu.vector_store %arg11[%swap3A_210], %add3A_209 {strides = array<i32>} : memref<512xf32, #tpu.memory_space<vmem>>, vector<16xf32>,
    %get3A_212 = arith.constant 416 : index
    %get3A_213 = tpu.vector_load %arg8[%get3A_212] {strides = array<i32>} : memref<512xi32, #tpu.memory_space<vmem>>, vector<16xi32>,
    %gather3A_214 = tpu.vector_load_idx %arg10[%get3A_213] : memref<1000xf32, #tpu.memory_space<vmem>>[vector<16xi32>], vector<16xf32>,
    %get3A_215 = arith.constant 416 : index
    %get3A_216 = tpu.vector_load %arg9[%get3A_215] {strides = array<i32>} : memref<512xf32, #tpu.memory_space<vmem>>, vector<16xf32>,
    %add3A_217 = arith.addf %get3A_216, %gather3A_214 : vector<16xf32>
    %swap3A_218 = arith.constant 416 : index
    %swap3A_219 = tpu.vector_load %arg11[%swap3A_218] {strides = array<i32>} : memref<512xf32, #tpu.memory_space<vmem>>, vector<16xf32>,
    tpu.vector_store %arg11[%swap3A_218], %add3A_217 {strides = array<i32>} : memref<512xf32, #tpu.memory_space<vmem>>, vector<16xf32>,
    %get3A_220 = arith.constant 432 : index
    %get3A_221 = tpu.vector_load %arg8[%get3A_220] {strides = array<i32>} : memref<512xi32, #tpu.memory_space<vmem>>, vector<16xi32>,
    %gather3A_222 = tpu.vector_load_idx %arg10[%get3A_221] : memref<1000xf32, #tpu.memory_space<vmem>>[vector<16xi32>], vector<16xf32>,
    %get3A_223 = arith.constant 432 : index
    %get3A_224 = tpu.vector_load %arg9[%get3A_223] {strides = array<i32>} : memref<512xf32, #tpu.memory_space<vmem>>, vector<16xf32>,
    %add3A_225 = arith.addf %get3A_224, %gather3A_222 : vector<16xf32>
    %swap3A_226 = arith.constant 432 : index
    %swap3A_227 = tpu.vector_load %arg11[%swap3A_226] {strides = array<i32>} : memref<512xf32, #tpu.memory_space<vmem>>, vector<16xf32>,
    tpu.vector_store %arg11[%swap3A_226], %add3A_225 {strides = array<i32>} : memref<512xf32, #tpu.memory_space<vmem>>, vector<16xf32>,
    %get3A_228 = arith.constant 448 : index
    %get3A_229 = tpu.vector_load %arg8[%get3A_228] {strides = array<i32>} : memref<512xi32, #tpu.memory_space<vmem>>, vector<16xi32>,
    %gather3A_230 = tpu.vector_load_idx %arg10[%get3A_229] : memref<1000xf32, #tpu.memory_space<vmem>>[vector<16xi32>], vector<16xf32>,
    %get3A_231 = arith.constant 448 : index
    %get3A_232 = tpu.vector_load %arg9[%get3A_231] {strides = array<i32>} : memref<512xf32, #tpu.memory_space<vmem>>, vector<16xf32>,
    %add3A_233 = arith.addf %get3A_232, %gather3A_230 : vector<16xf32>
    %swap3A_234 = arith.constant 448 : index
    %swap3A_235 = tpu.vector_load %arg11[%swap3A_234] {strides = array<i32>} : memref<512xf32, #tpu.memory_space<vmem>>, vector<16xf32>,
    tpu.vector_store %arg11[%swap3A_234], %add3A_233 {strides = array<i32>} : memref<512xf32, #tpu.memory_space<vmem>>, vector<16xf32>,
    %get3A_236 = arith.constant 464 : index
    %get3A_237 = tpu.vector_load %arg8[%get3A_236] {strides = array<i32>} : memref<512xi32, #tpu.memory_space<vmem>>, vector<16xi32>,
    %gather3A_238 = tpu.vector_load_idx %arg10[%get3A_237] : memref<1000xf32, #tpu.memory_space<vmem>>[vector<16xi32>], vector<16xf32>,
    %get3A_239 = arith.constant 464 : index
    %get3A_240 = tpu.vector_load %arg9[%get3A_239] {strides = array<i32>} : memref<512xf32, #tpu.memory_space<vmem>>, vector<16xf32>,
    %add3A_241 = arith.addf %get3A_240, %gather3A_238 : vector<16xf32>
    %swap3A_242 = arith.constant 464 : index
    %swap3A_243 = tpu.vector_load %arg11[%swap3A_242] {strides = array<i32>} : memref<512xf32, #tpu.memory_space<vmem>>, vector<16xf32>,
    tpu.vector_store %arg11[%swap3A_242], %add3A_241 {strides = array<i32>} : memref<512xf32, #tpu.memory_space<vmem>>, vector<16xf32>,
    %get3A_244 = arith.constant 480 : index
    %get3A_245 = tpu.vector_load %arg8[%get3A_244] {strides = array<i32>} : memref<512xi32, #tpu.memory_space<vmem>>, vector<16xi32>,
    %gather3A_246 = tpu.vector_load_idx %arg10[%get3A_245] : memref<1000xf32, #tpu.memory_space<vmem>>[vector<16xi32>], vector<16xf32>,
    %get3A_247 = arith.constant 480 : index
    %get3A_248 = tpu.vector_load %arg9[%get3A_247] {strides = array<i32>} : memref<512xf32, #tpu.memory_space<vmem>>, vector<16xf32>,
    %add3A_249 = arith.addf %get3A_248, %gather3A_246 : vector<16xf32>
    %swap3A_250 = arith.constant 480 : index
    %swap3A_251 = tpu.vector_load %arg11[%swap3A_250] {strides = array<i32>} : memref<512xf32, #tpu.memory_space<vmem>>, vector<16xf32>,
    tpu.vector_store %arg11[%swap3A_250], %add3A_249 {strides = array<i32>} : memref<512xf32, #tpu.memory_space<vmem>>, vector<16xf32>,
    %get3A_252 = arith.constant 496 : index
    %get3A_253 = tpu.vector_load %arg8[%get3A_252] {strides = array<i32>} : memref<512xi32, #tpu.memory_space<vmem>>, vector<16xi32>,
    %gather3A_254 = tpu.vector_load_idx %arg10[%get3A_253] : memref<1000xf32, #tpu.memory_space<vmem>>[vector<16xi32>], vector<16xf32>,
    %get3A_255 = arith.constant 496 : index
    %get3A_256 = tpu.vector_load %arg9[%get3A_255] {strides = array<i32>} : memref<512xf32, #tpu.memory_space<vmem>>, vector<16xf32>,
    %add3A_257 = arith.addf %get3A_256, %gather3A_254 : vector<16xf32>
    %swap3A_258 = arith.constant 496 : index
    %swap3A_259 = tpu.vector_load %arg11[%swap3A_258] {strides = array<i32>} : memref<512xf32, #tpu.memory_space<vmem>>, vector<16xf32>,
    tpu.vector_store %arg11[%swap3A_258], %add3A_257 {strides = array<i32>} : memref<512xf32, #tpu.memory_space<vmem>>, vector<16xf32>,
    "tpu.region"() ({
      %run_scoped3A = tpu.sem_alloc : memref<!tpu.dma_semaphore, #tpu.memory_space<semaphore_mem>>
      %dma_start3A_260 = tpu.memref_slice %arg6[%mul3A_2] : memref<16384xf32, #tpu.memory_space<hbm>> -> memref<512xf32, #tpu.memory_space<hbm>>
      %dma_start3A_261 = tpu.memref_slice %arg6[%mul3A_2] : memref<16384xf32, #tpu.memory_space<hbm>> -> memref<512xf32, #tpu.memory_space<hbm>>
      tpu.enqueue_dma source(%arg11 : memref<512xf32, #tpu.memory_space<vmem>>) target(%dma_start3A_261 : memref<512xf32, #tpu.memory_space<hbm>>) target_semaphore(%run_scoped3A : memref<!tpu.dma_semaphore, #tpu.memory_space<semaphore_mem>>)
      %dma_wait3A_262 = tpu.memref_slice %arg6[%mul3A_2] : memref<16384xf32, #tpu.memory_space<hbm>> -> memref<512xf32, #tpu.memory_space<hbm>>
      %dma_wait3A_263 = tpu.memref_slice %arg6[%mul3A_2] : memref<16384xf32, #tpu.memory_space<hbm>> -> memref<512xf32, #tpu.memory_space<hbm>>
      tpu.wait_dma2 semaphore(%run_scoped3A : memref<!tpu.dma_semaphore, #tpu.memory_space<semaphore_mem>>) src(%arg11 : memref<512xf32, #tpu.memory_space<vmem>>) dst(%dma_wait3A_263 : memref<512xf32, #tpu.memory_space<hbm>>)
      tpu.yield
    }) : () -> ()
    return
  }
}

module attributes {stable_mosaic.version = 14 : i64} {
  func.func @_tc_scores_body(%arg0: i32, %arg1: memref<16x25600xf32, #tpu.memory_space<vmem>>, %arg2: memref<16x1000xf32, #tpu.memory_space<vmem>>, %arg3: memref<544x1xf32, #tpu.memory_space<vmem>>, %arg4: memref<25600xf32, #tpu.memory_space<vmem>>, %arg5: memref<1000xf32, #tpu.memory_space<vmem>>) attributes {dimension_semantics = [#tpu.dimension_semantics<arbitrary>], iteration_bounds = array<i64: 4>, scalar_prefetch = 0 : i64, scratch_operands = 0 : i64, tpu.core_type = #tpu.core_type<tc>, window_params = [{transform_indices = @transform_0, window_bounds = array<i64: 16, 25600>}, {pipeline_mode = #tpu.pipeline_mode<synchronous>, transform_indices = @transform_1, window_bounds = array<i64: 16, 1000>}, {pipeline_mode = #tpu.pipeline_mode<synchronous>, transform_indices = @transform_2, window_bounds = array<i64: 544, 1>}, {transform_indices = @transform_3, window_bounds = array<i64: 25600>}, {pipeline_mode = #tpu.pipeline_mode<synchronous>, transform_indices = @transform_4, window_bounds = array<i64: 1000>}]} {
    %get3A = arith.constant 512 : index
    %get3A_0 = arith.constant 0 : index
    %get3A_1 = vector.load %arg3[%get3A, %get3A_0] : memref<544x1xf32, #tpu.memory_space<vmem>>, vector<16x1xf32>
    %get3A_2 = arith.constant 0 : index
    %get3A_3 = arith.constant 0 : index
    %get3A_4 = vector.load %arg1[%get3A_2, %get3A_3] : memref<16x25600xf32, #tpu.memory_space<vmem>>, vector<16x25600xf32>
    %mul3A = vector.broadcast %get3A_1 : vector<16x1xf32> to vector<16x25600xf32>
    %mul3A_5 = arith.mulf %get3A_4, %mul3A : vector<16x25600xf32>
    %reduce_sum3A = arith.constant dense<0.000000e+00> : vector<25600xf32>
    %reduce_sum3A_6 = vector.multi_reduction <add>, %mul3A_5, %reduce_sum3A [0] : vector<16x25600xf32> to vector<25600xf32>
    %swap3A = arith.constant 0 : index
    %swap3A_7 = vector.load %arg4[%swap3A] : memref<25600xf32, #tpu.memory_space<vmem>>, vector<25600xf32>
    tpu.vector_store %arg4[%swap3A], %reduce_sum3A_6 {strides = array<i32>} : memref<25600xf32, #tpu.memory_space<vmem>>, vector<25600xf32>,
    %eq3A = arith.constant 0 : i32
    %eq3A_8 = arith.cmpi eq, %arg0, %eq3A : i32
    %convert_element_type3A = arith.extui %eq3A_8 : i1 to i32
    %cond3A = arith.constant 0 : i32
    %cond3A_9 = arith.cmpi ne, %convert_element_type3A, %cond3A : i32
    scf.if %cond3A_9 {
      %get3A_10 = arith.constant 528 : index
      %get3A_11 = arith.constant 0 : index
      %get3A_12 = vector.load %arg3[%get3A_10, %get3A_11] : memref<544x1xf32, #tpu.memory_space<vmem>>, vector<16x1xf32>
      %get3A_13 = arith.constant 0 : index
      %get3A_14 = arith.constant 0 : index
      %get3A_15 = vector.load %arg2[%get3A_13, %get3A_14] : memref<16x1000xf32, #tpu.memory_space<vmem>>, vector<16x1000xf32>
      %mul3A_16 = vector.broadcast %get3A_12 : vector<16x1xf32> to vector<16x1000xf32>
      %mul3A_17 = arith.mulf %get3A_15, %mul3A_16 : vector<16x1000xf32>
      %reduce_sum3A_18 = arith.constant dense<0.000000e+00> : vector<1000xf32>
      %reduce_sum3A_19 = vector.multi_reduction <add>, %mul3A_17, %reduce_sum3A_18 [0] : vector<16x1000xf32> to vector<1000xf32>
      %swap3A_20 = arith.constant 0 : index
      %swap3A_21 = vector.load %arg5[%swap3A_20] : memref<1000xf32, #tpu.memory_space<vmem>>, vector<1000xf32>
      tpu.vector_store %arg5[%swap3A_20], %reduce_sum3A_19 {strides = array<i32>} : memref<1000xf32, #tpu.memory_space<vmem>>, vector<1000xf32>,
    } else {
    }
    return
  }
  func.func @transform_0(%arg0: i32) -> (i32, i32) {
    %c0_i32 = arith.constant 0 : i32
    %c0_i32_0 = arith.constant 0 : i32
    return %c0_i32, %arg0 : i32, i32
  }
  func.func @transform_1(%arg0: i32) -> (i32, i32) {
    %c0_i32 = arith.constant 0 : i32
    %c0_i32_0 = arith.constant 0 : i32
    %c0_i32_1 = arith.constant 0 : i32
    return %c0_i32, %c0_i32_0 : i32, i32
  }
  func.func @transform_2(%arg0: i32) -> (i32, i32) {
    %c0_i32 = arith.constant 0 : i32
    %c0_i32_0 = arith.constant 0 : i32
    %c0_i32_1 = arith.constant 0 : i32
    return %c0_i32, %c0_i32_0 : i32, i32
  }
  func.func @transform_3(%arg0: i32) -> i32 {
    %c0_i32 = arith.constant 0 : i32
    return %arg0 : i32
  }
  func.func @transform_4(%arg0: i32) -> i32 {
    %c0_i32 = arith.constant 0 : i32
    %c0_i32_0 = arith.constant 0 : i32
    return %c0_i32 : i32
  }
}

module attributes {stable_mosaic.version = 14 : i64} {
  func.func @_tc_head_body(%arg0: i32, %arg1: memref<4096x512xf32, #tpu.memory_space<vmem>>, %arg2: memref<544x1xf32, #tpu.memory_space<vmem>>, %arg3: memref<1xf32, #tpu.memory_space<smem>>, %arg4: memref<4096xf32, #tpu.memory_space<vmem>>) attributes {dimension_semantics = [#tpu.dimension_semantics<arbitrary>], iteration_bounds = array<i64: 4>, scalar_prefetch = 0 : i64, scratch_operands = 0 : i64, tpu.core_type = #tpu.core_type<tc>, window_params = [{transform_indices = @transform_0, window_bounds = array<i64: 4096, 512>}, {pipeline_mode = #tpu.pipeline_mode<synchronous>, transform_indices = @transform_1, window_bounds = array<i64: 544, 1>}, {transform_indices = @transform_2, window_bounds = array<i64: 1>}, {transform_indices = @transform_3, window_bounds = array<i64: 4096>}]} {
    %get3A = arith.constant 0 : index
    %get3A_0 = arith.constant 0 : index
    %get3A_1 = vector.load %arg2[%get3A, %get3A_0] : memref<544x1xf32, #tpu.memory_space<vmem>>, vector<512x1xf32>
    %get3A_2 = arith.constant 0 : index
    %get3A_3 = arith.constant 0 : index
    %get3A_4 = vector.load %arg1[%get3A_2, %get3A_3] : memref<4096x512xf32, #tpu.memory_space<vmem>>, vector<4096x512xf32>
    %dot_general3A = arith.constant dense<0.000000e+00> : vector<4096x1xf32>
    %dot_general3A_5 = tpu.matmul %get3A_4, %get3A_1, %dot_general3A {dimension_numbers = #tpu.dot_dimension_numbers<[1], [0], [0], [1], [0, 0, 1, 1], [], []>, transpose_lhs_hint = false} : vector<4096x512xf32>, vector<512x1xf32>, vector<4096x1xf32> -> vector<4096x1xf32>
    %squeeze3A = vector.shape_cast %dot_general3A_5 : vector<4096x1xf32> to vector<4096xf32>
    %get3A_6 = arith.constant 0 : index
    %get3A_7 = memref.load %arg3[%get3A_6] : memref<1xf32, #tpu.memory_space<smem>>
    %add3A = vector.broadcast %get3A_7 : f32 to vector<4096xf32>
    %add3A_8 = arith.addf %squeeze3A, %add3A : vector<4096xf32>
    %swap3A = arith.constant 0 : index
    %swap3A_9 = vector.load %arg4[%swap3A] : memref<4096xf32, #tpu.memory_space<vmem>>, vector<4096xf32>
    tpu.vector_store %arg4[%swap3A], %add3A_8 {strides = array<i32>} : memref<4096xf32, #tpu.memory_space<vmem>>, vector<4096xf32>,
    return
  }
  func.func @transform_0(%arg0: i32) -> (i32, i32) {
    %c0_i32 = arith.constant 0 : i32
    %c0_i32_0 = arith.constant 0 : i32
    return %arg0, %c0_i32 : i32, i32
  }
  func.func @transform_1(%arg0: i32) -> (i32, i32) {
    %c0_i32 = arith.constant 0 : i32
    %c0_i32_0 = arith.constant 0 : i32
    %c0_i32_1 = arith.constant 0 : i32
    return %c0_i32, %c0_i32_0 : i32, i32
  }
  func.func @transform_2(%arg0: i32) -> i32 {
    %c0_i32 = arith.constant 0 : i32
    %c0_i32_0 = arith.constant 0 : i32
    return %c0_i32 : i32
  }
  func.func @transform_3(%arg0: i32) -> i32 {
    %c0_i32 = arith.constant 0 : i32
    return %arg0 : i32
  }
}

</mosaic_0001>

<sc_bundles>
// kernel: kernel.5.cloned.1.call-start
scs
__scs_entry_jumppad:
0x0: {  	(pc) =	sbr.rel $0x88, $3  }
0x1: {  	(tag) =	ssettag $0x0;
	lr =	simm.s32 $0x1  }
0x2: {  	[smem:$0x3F9A] =	sst lr;
	_ =	strace $0xD0000000  }
0x3: {  	_ = 	snop  }
0x4: {  	_ = 	snop  }
0x5: {  	_ = 	snop  }
0x6: {  	_ = 	snop  }
0x7: {  	_ = 	snop  }
__scs_overlays_trampoline_lowered:
0x8: {  	[smem:$0x3FA9] =	sst s0  }
0x9: {  	[smem:$0x3FAA] =	sst s1  }
0xa: {  	[smem:$0x3FAB] =	sst s2  }
0xb: {  	[smem:$0x3FAC] =	sst s3  }
0xc: {  	[smem:$0x3FAD] =	sst s4  }
0xd: {  	[smem:$0x3FAE] =	sst s5  }
0xe: {  	[smem:$0x3FAF] =	sst s6  }
0xf: {  	[smem:$0x3FB0] =	sst s7  }
0x10: {  	[smem:$0x3FB1] =	sst s8  }
0x11: {  	[smem:$0x3FB2] =	sst s9;
	s0 =	simm.s32 @!p0 $0x0  }
0x12: {  	s1 =	sld [smem:$0x3F98];
	s0 =	simm.s32 @p0 $0x1  }
0x13: {  	[smem:$0x3FB3] =	sst s0;
	s0 =	simm.s32 @!p1 $0x0  }
0x14: {  	s2 =	sld [smem:$0x3F97];
	s0 =	simm.s32 @p1 $0x1  }
0x15: {  	[smem:$0x3FB4] =	sst s0;
	s0 =	simm.s32 @!p2 $0x0  }
0x16: {  	s3 =	sld [smem:$0x3FDB];
	s0 =	simm.s32 @p2 $0x1  }
0x17: {  	s4 =	simm.s32 $0x1BF5;
	[smem:$0x3FB6] =	sst s0  }
0x18: {  	s0 =	sld [smem:$0x3F99];
	_ =	swait.ge [sflag:s4], $0x0  }
0x19: {  	s7 =	sld [smem:$0x3F9A]  }
0x1a: {  	s8 =	sadd.s32 $0xFFFFE003, lr  }
0x1b: {  	s9 =	sadd.s32 $0xFFFFFEF7, lr;
	s5 =	simm.s32 $0xFFFFFFFF;
	p2 =	slt.u32 s8, $0xFFFFF086  }
0x1c: {  	p1 =	slt.u32 s9, $0xF7A;
	s5 =	simm.s32 @!p2 $0x0  }
0x1d: {  	s5 =	simm.s32 @p1 $0x1;
	p0 =	seq.s32 s7, s2  }
0x1e: {  	s7 =	smul.u32 @!p0 $0xF7A, s2;
	p2 =	seq.s32 @!p0 s5, $0x0  }
0x1f: {  	s9 =	smul.u32 $0xF7A, s1;
	s8 =	simm.s32 @!p0 $0x1BF5;
	p2 =	por !p2, p0  }
0x20: {  	[sflag:s8] =	ssyncset.s32 @!p0 $0xFFFFF086;
	s6 =	sadd.s32 @!p0 s3, s7;
	s7 =	simm.s32 @!p0 $0x108  }
0x21: {  	s3 =	sadd.s32 s3, s9;
	s6 =	sadd.s32 @!p0 $0x88, s6;
	s7 =	simm.s32 @p2 $0x1082  }
0x22: {  	[simem:s7], [sflag:s8] =	dma.local @!p0 [hbm:s6], $0xF7A  }
0x23: {  	s9 =	sor.u32 $0xD0000000, s2;
	s6 =	simm.s32 $0x108;
	_ =	swait.ge @!p0 [sflag:s8], $0x0  }
0x24: {  	s3 =	sadd.s32 $0x88, s3;
	s6 =	simm.s32 @!p1 $0x1082;
	[sflag:s4] =	ssyncset.s32 $0xFFFFF086  }
0x25: {  	[simem:s6], [sflag:s4] =	dma.local [hbm:s3], $0xF7A  }
0x26: {  	[smem:$0x3F9A] =	sst s1;
	(tag) =	ssettag s2;
	_ =	strace s9  }
0x27: {  	s1 =	sld [smem:$0x3FAA]  }
0x28: {  	s2 =	sld [smem:$0x3FAB]  }
0x29: {  	s4 =	sld [smem:$0x3FAD]  }
0x2a: {  	p0 =	seq.s32 s5, $0x0;
	s5 =	sld [smem:$0x3FAE]  }
0x2b: {  	s6 =	sld [smem:$0x3FAF]  }
0x2c: {  	s7 =	sld [smem:$0x3FB0]  }
0x2d: {  	s3 =	simm.s32 $0x108;
	s8 =	sld [smem:$0x3FB1]  }
0x2e: {  	s3 =	simm.s32 @!p0 $0x1082;
	s9 =	sld [smem:$0x3FB2]  }
0x2f: {  	lr =	sadd.s32 s0, s3;
	s0 =	sld [smem:$0x3FA9]  }
0x30: {  	s3 =	sld [smem:$0x3FAC]  }
0x31: {  	[smem:$0x3FB5] =	sst s10  }
0x32: {  	s10 =	sld [smem:$0x3FB3];
	_ =	sdelay $0x3  }
0x33: {  	p0 =	seq.s32 s10, $0x1;
	s10 =	sld [smem:$0x3FB5];
	_ =	sdelay $0x3  }
0x34: {  	[smem:$0x3FB5] =	sst s10  }
0x35: {  	s10 =	sld [smem:$0x3FB4];
	_ =	sdelay $0x3  }
0x36: {  	p1 =	seq.s32 s10, $0x1;
	s10 =	sld [smem:$0x3FB5];
	_ =	sdelay $0x3  }
0x37: {  	[smem:$0x3FB5] =	sst s10  }
0x38: {  	s10 =	sld [smem:$0x3FB6]  }
0x39: {  	_ = 	snop;
	(pc) =	sbr.ind lr, $3  }
0x3a: {  	_ = 	snop  }
0x3b: {  	_ = 	snop  }
0x3c: {  	p2 =	seq.s32 s10, $0x1;
	s10 =	sld [smem:$0x3FB5]  }
0x3d: {  	_ =	shalt  }
0x3e: {  	_ =	shalt  }
0x3f: {  	_ =	shalt  }
0x40: {  	_ =	shalt  }
0x41: {  	_ =	shalt  }
0x42: {  	_ =	shalt  }
0x43: {  	_ =	shalt  }
0x44: {  	_ =	shalt  }
0x45: {  	_ =	shalt  }
0x46: {  	_ =	shalt  }
0x47: {  	_ =	shalt  }
0x48: {  	_ =	shalt  }
0x49: {  	_ =	shalt  }
0x4a: {  	_ =	shalt  }
0x4b: {  	_ =	shalt  }
0x4c: {  	_ =	shalt  }
0x4d: {  	_ =	shalt  }
0x4e: {  	_ =	shalt  }
0x4f: {  	_ =	shalt  }
0x50: {  	_ =	shalt  }
0x51: {  	_ =	shalt  }
0x52: {  	_ =	shalt  }
0x53: {  	_ =	shalt  }
0x54: {  	_ =	shalt  }
0x55: {  	_ =	shalt  }
0x56: {  	_ =	shalt  }
0x57: {  	_ =	shalt  }
0x58: {  	_ =	shalt  }
0x59: {  	_ =	shalt  }
0x5a: {  	_ =	shalt  }
0x5b: {  	_ =	shalt  }
0x5c: {  	_ =	shalt  }
0x5d: {  	_ =	shalt  }
0x5e: {  	_ =	shalt  }
0x5f: {  	_ =	shalt  }
0x60: {  	_ =	shalt  }
0x61: {  	_ =	shalt  }
0x62: {  	_ =	shalt  }
0x63: {  	_ =	shalt  }
0x64: {  	_ =	shalt  }
0x65: {  	_ =	shalt  }
0x66: {  	_ =	shalt  }
0x67: {  	_ =	shalt  }
0x68: {  	_ =	shalt  }
0x69: {  	_ =	shalt  }
0x6a: {  	_ =	shalt  }
0x6b: {  	_ =	shalt  }
0x6c: {  	_ =	shalt  }
0x6d: {  	_ =	shalt  }
0x6e: {  	_ =	shalt  }
0x6f: {  	_ =	shalt  }
0x70: {  	_ =	shalt  }
0x71: {  	_ =	shalt  }
0x72: {  	_ =	shalt  }
0x73: {  	_ =	shalt  }
0x74: {  	_ =	shalt  }
0x75: {  	_ =	shalt  }
0x76: {  	_ =	shalt  }
0x77: {  	_ =	shalt  }
0x78: {  	_ =	shalt  }
0x79: {  	_ =	shalt  }
0x7a: {  	_ =	shalt  }
0x7b: {  	_ =	shalt  }
0x7c: {  	_ =	shalt  }
0x7d: {  	_ =	shalt  }
0x7e: {  	_ =	shalt  }
0x7f: {  	_ =	shalt  }
0x80: {  	_ =	shalt  }
0x81: {  	_ =	shalt  }
0x82: {  	_ =	shalt  }
0x83: {  	_ =	shalt  }
0x84: {  	_ =	shalt  }
0x85: {  	_ =	shalt  }
0x86: {  	_ =	shalt  }
0x87: {  	_ =	shalt  }
.Lfunc_end0:
.L_simem_size_0:
called_computation_lowered:
.L_overlay_start_0:
0x88: {  	s2 =	sld [smem:$0x3FD9]  }
0x89: {  	s3 =	sld [smem:$0x3FFE];
	_ =	sdelay $0x1  }
0x8a: {  	s1 =	srdreg.scid  }
0x8b: {  	s0 =	sand.u32 $0x1, s1  }
0x8c: {  	s17 =	sshll.u32 s0, $0xA;
	s2 =	sadd.s32 s3, s2  }
0x8d: {  	s2 =	sadd.s32 s2, s17  }
0x8e: {  	[smem:$0x3FC1] =	sst s2  }
0x8f: {  	_ = 	snop  }
0x90: {  	s2 =	sld [smem:$0x3FC8]  }
0x91: {  	s18 =	sld [smem:$0x3FC7]  }
0x92: {  	s4 =	sld [smem:$0x3FD0];
	(tm) =	ssettm $0x1  }
0x93: {  	s5 =	sld [smem:$0x3FFB];
	_ =	sdelay $0x3  }
0x94: {  	_ =	strace s5  }
0x95: {  	s5 =	sld [smem:$0x3FFC];
	_ =	sdelay $0x3  }
0x96: {  	_ =	strace s5  }
0x97: {  	s5 =	sld [smem:$0x3FFD];
	_ =	sdelay $0x3  }
0x98: {  	_ =	strace s5  }
0x99: {  	_ =	strace $0x8FFFFFFF  }
0x9a: {  	s19 =	sld [smem:$0x3FDB];
	_ =	sdelay $0x1  }
0x9b: {  	s6 =	simm.s32 $_scs_section_size  }
0x9c: {  	s7 =	simm.s32 $_size__tile_overlayer_lowered;
	s8 =	simm.s32 $_tile_overlayer_lowered  }
0x9d: {  	s22 =	simm.s32 $0x1BFF;
	s21 =	sshll.u32 s8, $0x1;
	s5 =	sadd.s32 s6, s19  }
0x9e: {  	s9 =	simm.s32 $0x0;
	s20 =	sshll.u32 s7, $0x1;
	s7 =	sadd.s32 s21, s5  }
0x9f: {  	[timem:s9], [sflag:s22] =	dma.local [hbm:s7], s20  }
0xa0: {  	_ =	swait.ge [sflag:s22], s20  }
0xa1: {  	s6 =	ssub.s32 $0x0, s20;
	[sflag:s22] =	ssyncset.done $0x0  }
0xa2: {  	[sflag:s22] =	ssyncadd.s32 s6;
	_ =	sdelay $0x1  }
0xa3: {  	s23 =	simm.s32 $0x1B8B  }
0xa4: {  	_ =	swait.ge [sflag:s23], $0x1  }
0xa5: {  	[sflag:s23] =	ssyncset.done $0x0  }
0xa6: {  	s25 =	simm.s32 $0x1B8E;
	s24 =	sld [smem:$0x3FFE];
	[sflag:s23] =	ssyncadd.s32 $0xFFFFFFFF  }
0xa7: {  	s26 =	simm.s32 $execute0_lowered;
	[smem:$0x3FD2] =	sst s25  }
0xa8: {  	s7 =	sshll.u32 s26, $0x1;
	_ =	strace $0x80000046;
	[dreg:$0x1] =	wrdreg $0xFFFFFFFF  }
0xa9: {  	s28 =	simm.s32 $_size_execute0_lowered;
	s5 =	sadd.s32 s5, s7;
	[dreg:$0x0] =	wrdreg $0x0  }
0xaa: {  	s7 =	sshll.u32 s28, $0x1;
	[dreg:$0x2] =	wrdreg s5  }
0xab: {  	[dreg:$0x3] =	wrdreg s7  }
0xac: {  	[dreg:$0x4] =	wrdreg $0xC0  }
0xad: {  	_ =	task [dreg:s9], $0x5FFFF  }
0xae: {  	[dreg:$0x1] =	wrdreg $0xFFFFFFFF  }
0xaf: {  	[dreg:$0x0] =	wrdreg $0x60  }
0xb0: {  	[dreg:$0x2] =	wrdreg s24  }
0xb1: {  	[dreg:$0x3] =	wrdreg s2  }
0xb2: {  	[dreg:$0x4] =	wrdreg s18  }
0xb3: {  	[dreg:$0x5] =	wrdreg s4  }
0xb4: {  	[dreg:$0x6] =	wrdreg $0x192880  }
0xb5: {  	[dreg:$0x7] =	wrdreg $0x9  }
0xb6: {  	_ =	task.clear_ibuf [dreg:s9], $0x8FFFF;
	_ =	strace $0x90000046  }
0xb7: {  	s29 =	simm.s32 $0x9;
	_ =	strace $0x80000048  }
0xb8: {  	_ =	swait.ge [sflag:s29], $0x1  }
0xb9: {  	[sflag:s29] =	ssyncadd.s32 $0xFFFFFFFF  }
0xba: {  	_ =	strace $0x90000048  }
0xbb: {  	_ =	sfence  }
0xbc: {  	s30 =	sld [smem:$0x0];
	_ =	sdelay $0x2  }
0xbd: {  	s31 =	sshll.u32 s1, $0xD;
	s1 =	sshrl.u32 s1, $0x2  }
0xbe: {  	s3 =	sand.u32 $0x4000, s31;
	s1 =	sadd.s32 s1, s30  }
0xbf: {  	s0 =	sor.u32 s3, s0;
	s1 =	sshll.u32 s1, $0x11  }
0xc0: {  	s0 =	sor.u32 s1, s0  }
0xc1: {  	s0 =	sadd.s32 $0x8F2B, s0  }
0xc2: {  	[sflag:s0] =	ssyncadd.remote.s32 $0x1  }
0xc3: {  	_ =	sfence.sel $0xFFFF  }
0xc4: {  	[dreg:$0x0] =	wrdreg $0xFFFFFFFF;
	(pc) =	sbr.abs _section_cstart, $3  }
0xc5: {  	[dreg:$0x1] =	wrdreg $0xFFFFFFFF  }
0xc6: {  	_ =	task.clear_ibuf [dreg:s9], $0x2FFFF;
	_ =	strace $0x9FFFFFFF  }
0xc7: {  	(tm) =	ssettm $0x7FFFFFFF  }
tec
execute0_lowered:
.L_overlay_start_1:
0x0: {  	(tag) =	ssettag $0x1  }
0x1: {  	s9 =	rddreg [dreg:$0x0]  }
0x2: {  	s3 =	rddreg [dreg:$0x1]  }
0x3: {  	s5 =	rddreg [dreg:$0x2]  }
0x4: {  	s15 =	rddreg [dreg:$0x3]  }
0x5: {  	s1 =	rddreg [dreg:$0x4];
	s2 =	srdreg.scid  }
0x6: {  	s0 =	rddreg [dreg:$0x5];
	s10 =	stileid.u32;
	s16 =	sand.u32 $0x1, s2  }
0x7: {  	s2 =	simm.s32 $0x0;
	s4 =	sshll.u32 s10, $0x7;
	s6 =	sshll.u32 s16, $0x6  }
0x8: {  	[smem:$0x7FF] =	sst s2;
	s17 =	sor.u32 s6, s4  }
0x9: {  	_ =	strace $0x80000047;
	s4 =	sadd.s32 s3, s17;
	s3 =	simm.s32 $0x2  }
0xa: {  	[tilespmem:s2], [sflag:$0x2] =	stream.linear.gather [hbm4b:s4+s2], $0x200, $0x38;
	[tilespmem:$0x1AAF8] =	vst v63  }
0xb: {  	_ =	swait.ge [sflag:s3], $0x200  }
0xc: {  	[sflag:s3] =	ssyncset.done $0x0  }
0xd: {  	s6 =	simm.s32 $0x200;
	s5 =	sadd.s32 s5, s17;
	[sflag:s3] =	ssyncadd.s32 $0xFFFFFE00  }
0xe: {  	[tilespmem:s6], [sflag:$0x2] =	stream.linear.gather [hbm4b:s5+s2], $0x200, $0x38;
	[tilespmem:$0x1AAF8] =	vst v63  }
0xf: {  	_ =	swait.ge [sflag:s3], $0x200  }
0x10: {  	[sflag:s3] =	ssyncset.done $0x0  }
0x11: {  	s8 =	simm.s32 $0x600;
	s7 =	sadd.s32 $0x4000, s9;
	[sflag:s3] =	ssyncadd.s32 $0xFFFFFE00  }
0x12: {  	[tilespmem:s8], [sflag:$0x2] =	stream.linear.gather [hbm4b:s7+s2], $0x3E8, $0x38;
	[tilespmem:$0x1AAF8] =	vst v63  }
0x13: {  	p0 =	sne.s32 s10, $0x0;
	_ =	swait.ge [sflag:s3], $0x3E8  }
0x14: {  	s9 =	sadd.s32 $0xE00, s9;
	s10 =	simm.s32 @!p0 $0x2;
	[sflag:s3] =	ssyncset.done $0x0  }
0x15: {  	s11 =	simm.s32 @!p0 $0x0;
	s12 =	simm.s32 @!p0 $0xBE8;
	[sflag:s3] =	ssyncadd.s32 $0xFFFFFC18  }
0x16: {  	[tilespmem:s12], [sflag:$0x2] =	stream.linear.gather @!p0 [hbm4b:s9+s11], $0x186A0, $0x38;
	[tilespmem:$0x1AAF8] =	vst v63  }
0x17: {  	_ =	swait.ge @!p0 [sflag:s10], $0x186A0  }
0x18: {  	[sflag:s10] =	ssyncset.done @!p0 $0x0  }
0x19: {  	[sflag:s10] =	ssyncadd.s32 @!p0 $0xFFFE7960  }
0x1a: {  	[spmem:s1] =	stream.linear.scatter @!p0 [tilespmem:s12], [sflag:$0x2], $0x186A0, $0x38;
	[tilespmem:$0x1AAF8] =	vst v63  }
0x1b: {  	_ =	swait.ge @!p0 [sflag:s10], $0x186A0  }
0x1c: {  	[sflag:s10] =	ssyncset.done @!p0 $0x0  }
0x1d: {  	[sflag:s10] =	ssyncadd.s32 @!p0 $0xFFFE7960  }
0x1e: {  	s13 =	simm.s32 $0x400;
	s14 =	simm.s32 $0x1;
	[bflag:$0x0] =	sbarrier.arrive $0xFFFF  }
0x1f: {  	[tilespmem:s13], [sflag:$0x1] =	stream.indirect.gather [spmem:s1], $0x1, s2, s6, $0xb8;
	[tilespmem:$0x1AAF8] =	vst v63  }
0x20: {  	_ =	swait.ge [sflag:s14], $0x200  }
0x21: {  	[sflag:s14] =	ssyncset.done $0x0  }
0x22: {  	[sflag:s14] =	ssyncadd.s32 $0xFFFFFE00  }
0x23: {  	v0 =	vld [tilespmem:$0x200];
	_ =	sdelay $0x5  }
0x24: {  	v1 =	vld [tilespmem:$0x210]  }
0x25: {  	v2 =	vld [tilespmem:$0x400]  }
0x26: {  	v0 =	vld.idx.msk [tilespmem:v0+s8+$0x0], $0xffff;
	_ =	sdelay $0x4  }
0x27: {  	v0 =	vadd.f32 v2, v0  }
0x28: {  	v63 =	vld [tilespmem:$0x220]  }
0x29: {  	v4 =	vld [tilespmem:$0x410];
	[tilespmem:$0x9E8] =	vst v0  }
0x2a: {  	v1 =	vld.idx.msk [tilespmem:v1+s8+$0x0], $0xffff;
	_ =	sdelay $0x4  }
0x2b: {  	v1 =	vadd.f32 v4, v1  }
0x2c: {  	v5 =	vld [tilespmem:$0x230]  }
0x2d: {  	v6 =	vld [tilespmem:$0x420];
	[tilespmem:$0x9F8] =	vst v1  }
0x2e: {  	v0 =	vld.idx.msk [tilespmem:v63+s8+$0x0], $0xffff;
	_ =	sdelay $0x4  }
0x2f: {  	v0 =	vadd.f32 v6, v0  }
0x30: {  	v7 =	vld [tilespmem:$0x240]  }
0x31: {  	v8 =	vld [tilespmem:$0x430];
	[tilespmem:$0xA08] =	vst v0  }
0x32: {  	v1 =	vld.idx.msk [tilespmem:v5+s8+$0x0], $0xffff;
	_ =	sdelay $0x4  }
0x33: {  	v1 =	vadd.f32 v8, v1  }
0x34: {  	v9 =	vld [tilespmem:$0x250]  }
0x35: {  	v10 =	vld [tilespmem:$0x440];
	[tilespmem:$0xA18] =	vst v1  }
0x36: {  	v0 =	vld.idx.msk [tilespmem:v7+s8+$0x0], $0xffff;
	_ =	sdelay $0x4  }
0x37: {  	v0 =	vadd.f32 v10, v0  }
0x38: {  	v11 =	vld [tilespmem:$0x260]  }
0x39: {  	v12 =	vld [tilespmem:$0x450];
	[tilespmem:$0xA28] =	vst v0  }
0x3a: {  	v1 =	vld.idx.msk [tilespmem:v9+s8+$0x0], $0xffff;
	_ =	sdelay $0x4  }
0x3b: {  	v1 =	vadd.f32 v12, v1  }
0x3c: {  	v13 =	vld [tilespmem:$0x270]  }
0x3d: {  	v14 =	vld [tilespmem:$0x460];
	[tilespmem:$0xA38] =	vst v1  }
0x3e: {  	v0 =	vld.idx.msk [tilespmem:v11+s8+$0x0], $0xffff;
	_ =	sdelay $0x4  }
0x3f: {  	v0 =	vadd.f32 v14, v0  }
0x40: {  	v15 =	vld [tilespmem:$0x280]  }
0x41: {  	v16 =	vld [tilespmem:$0x470];
	[tilespmem:$0xA48] =	vst v0  }
0x42: {  	v1 =	vld.idx.msk [tilespmem:v13+s8+$0x0], $0xffff;
	_ =	sdelay $0x4  }
0x43: {  	v1 =	vadd.f32 v16, v1  }
0x44: {  	v17 =	vld [tilespmem:$0x290]  }
0x45: {  	v18 =	vld [tilespmem:$0x480];
	[tilespmem:$0xA58] =	vst v1  }
0x46: {  	v0 =	vld.idx.msk [tilespmem:v15+s8+$0x0], $0xffff;
	_ =	sdelay $0x4  }
0x47: {  	v0 =	vadd.f32 v18, v0  }
0x48: {  	v19 =	vld [tilespmem:$0x2A0]  }
0x49: {  	v20 =	vld [tilespmem:$0x490];
	[tilespmem:$0xA68] =	vst v0  }
0x4a: {  	v1 =	vld.idx.msk [tilespmem:v17+s8+$0x0], $0xffff;
	_ =	sdelay $0x4  }
0x4b: {  	v1 =	vadd.f32 v20, v1  }
0x4c: {  	v21 =	vld [tilespmem:$0x2B0]  }
0x4d: {  	v22 =	vld [tilespmem:$0x4A0];
	[tilespmem:$0xA78] =	vst v1  }
0x4e: {  	v0 =	vld.idx.msk [tilespmem:v19+s8+$0x0], $0xffff;
	_ =	sdelay $0x4  }
0x4f: {  	v0 =	vadd.f32 v22, v0  }
0x50: {  	v23 =	vld [tilespmem:$0x2C0]  }
0x51: {  	v24 =	vld [tilespmem:$0x4B0];
	[tilespmem:$0xA88] =	vst v0  }
0x52: {  	v1 =	vld.idx.msk [tilespmem:v21+s8+$0x0], $0xffff;
	_ =	sdelay $0x4  }
0x53: {  	v1 =	vadd.f32 v24, v1  }
0x54: {  	v25 =	vld [tilespmem:$0x2D0]  }
0x55: {  	v26 =	vld [tilespmem:$0x4C0];
	[tilespmem:$0xA98] =	vst v1  }
0x56: {  	v0 =	vld.idx.msk [tilespmem:v23+s8+$0x0], $0xffff;
	_ =	sdelay $0x4  }
0x57: {  	v0 =	vadd.f32 v26, v0  }
0x58: {  	v27 =	vld [tilespmem:$0x2E0]  }
0x59: {  	v28 =	vld [tilespmem:$0x4D0];
	[tilespmem:$0xAA8] =	vst v0  }
0x5a: {  	v1 =	vld.idx.msk [tilespmem:v25+s8+$0x0], $0xffff;
	_ =	sdelay $0x4  }
0x5b: {  	v1 =	vadd.f32 v28, v1  }
0x5c: {  	v29 =	vld [tilespmem:$0x2F0]  }
0x5d: {  	v30 =	vld [tilespmem:$0x4E0];
	[tilespmem:$0xAB8] =	vst v1  }
0x5e: {  	v0 =	vld.idx.msk [tilespmem:v27+s8+$0x0], $0xffff;
	_ =	sdelay $0x4  }
0x5f: {  	v0 =	vadd.f32 v30, v0  }
0x60: {  	v31 =	vld [tilespmem:$0x300]  }
0x61: {  	v32 =	vld [tilespmem:$0x4F0];
	[tilespmem:$0xAC8] =	vst v0  }
0x62: {  	v1 =	vld.idx.msk [tilespmem:v29+s8+$0x0], $0xffff;
	_ =	sdelay $0x4  }
0x63: {  	v1 =	vadd.f32 v32, v1  }
0x64: {  	v33 =	vld [tilespmem:$0x310]  }
0x65: {  	v34 =	vld [tilespmem:$0x500];
	[tilespmem:$0xAD8] =	vst v1  }
0x66: {  	v0 =	vld.idx.msk [tilespmem:v31+s8+$0x0], $0xffff;
	_ =	sdelay $0x4  }
0x67: {  	v0 =	vadd.f32 v34, v0  }
0x68: {  	v35 =	vld [tilespmem:$0x320]  }
0x69: {  	v36 =	vld [tilespmem:$0x510];
	[tilespmem:$0xAE8] =	vst v0  }
0x6a: {  	v1 =	vld.idx.msk [tilespmem:v33+s8+$0x0], $0xffff;
	_ =	sdelay $0x4  }
0x6b: {  	v1 =	vadd.f32 v36, v1  }
0x6c: {  	v37 =	vld [tilespmem:$0x330]  }
0x6d: {  	v38 =	vld [tilespmem:$0x520];
	[tilespmem:$0xAF8] =	vst v1  }
0x6e: {  	v0 =	vld.idx.msk [tilespmem:v35+s8+$0x0], $0xffff;
	_ =	sdelay $0x4  }
0x6f: {  	v0 =	vadd.f32 v38, v0  }
0x70: {  	v39 =	vld [tilespmem:$0x340]  }
0x71: {  	v40 =	vld [tilespmem:$0x530];
	[tilespmem:$0xB08] =	vst v0  }
0x72: {  	v1 =	vld.idx.msk [tilespmem:v37+s8+$0x0], $0xffff;
	_ =	sdelay $0x4  }
0x73: {  	v1 =	vadd.f32 v40, v1  }
0x74: {  	v41 =	vld [tilespmem:$0x350]  }
0x75: {  	v42 =	vld [tilespmem:$0x540];
	[tilespmem:$0xB18] =	vst v1  }
0x76: {  	v0 =	vld.idx.msk [tilespmem:v39+s8+$0x0], $0xffff;
	_ =	sdelay $0x4  }
0x77: {  	v0 =	vadd.f32 v42, v0  }
0x78: {  	v43 =	vld [tilespmem:$0x360]  }
0x79: {  	v44 =	vld [tilespmem:$0x550];
	[tilespmem:$0xB28] =	vst v0  }
0x7a: {  	v1 =	vld.idx.msk [tilespmem:v41+s8+$0x0], $0xffff;
	_ =	sdelay $0x4  }
0x7b: {  	v1 =	vadd.f32 v44, v1  }
0x7c: {  	v45 =	vld [tilespmem:$0x370]  }
0x7d: {  	v46 =	vld [tilespmem:$0x560];
	[tilespmem:$0xB38] =	vst v1  }
0x7e: {  	v0 =	vld.idx.msk [tilespmem:v43+s8+$0x0], $0xffff;
	_ =	sdelay $0x4  }
0x7f: {  	v0 =	vadd.f32 v46, v0  }
0x80: {  	v47 =	vld [tilespmem:$0x380]  }
0x81: {  	v48 =	vld [tilespmem:$0x570];
	[tilespmem:$0xB48] =	vst v0  }
0x82: {  	v1 =	vld.idx.msk [tilespmem:v45+s8+$0x0], $0xffff;
	_ =	sdelay $0x4  }
0x83: {  	v1 =	vadd.f32 v48, v1  }
0x84: {  	v49 =	vld [tilespmem:$0x390]  }
0x85: {  	v50 =	vld [tilespmem:$0x580];
	[tilespmem:$0xB58] =	vst v1  }
0x86: {  	v0 =	vld.idx.msk [tilespmem:v47+s8+$0x0], $0xffff;
	_ =	sdelay $0x4  }
0x87: {  	v0 =	vadd.f32 v50, v0  }
0x88: {  	v51 =	vld [tilespmem:$0x3A0]  }
0x89: {  	v52 =	vld [tilespmem:$0x590];
	[tilespmem:$0xB68] =	vst v0  }
0x8a: {  	v1 =	vld.idx.msk [tilespmem:v49+s8+$0x0], $0xffff;
	_ =	sdelay $0x4  }
0x8b: {  	v1 =	vadd.f32 v52, v1  }
0x8c: {  	v53 =	vld [tilespmem:$0x3B0]  }
0x8d: {  	v54 =	vld [tilespmem:$0x5A0];
	[tilespmem:$0xB78] =	vst v1  }
0x8e: {  	v0 =	vld.idx.msk [tilespmem:v51+s8+$0x0], $0xffff;
	_ =	sdelay $0x4  }
0x8f: {  	v0 =	vadd.f32 v54, v0  }
0x90: {  	v55 =	vld [tilespmem:$0x3C0]  }
0x91: {  	v56 =	vld [tilespmem:$0x5B0];
	[tilespmem:$0xB88] =	vst v0  }
0x92: {  	v1 =	vld.idx.msk [tilespmem:v53+s8+$0x0], $0xffff;
	_ =	sdelay $0x4  }
0x93: {  	v1 =	vadd.f32 v56, v1  }
0x94: {  	v57 =	vld [tilespmem:$0x3D0]  }
0x95: {  	v58 =	vld [tilespmem:$0x5C0];
	[tilespmem:$0xB98] =	vst v1  }
0x96: {  	v0 =	vld.idx.msk [tilespmem:v55+s8+$0x0], $0xffff;
	_ =	sdelay $0x4  }
0x97: {  	v0 =	vadd.f32 v58, v0  }
0x98: {  	v59 =	vld [tilespmem:$0x3E0]  }
0x99: {  	v60 =	vld [tilespmem:$0x5D0];
	[tilespmem:$0xBA8] =	vst v0  }
0x9a: {  	v1 =	vld.idx.msk [tilespmem:v57+s8+$0x0], $0xffff;
	_ =	sdelay $0x4  }
0x9b: {  	v1 =	vadd.f32 v60, v1  }
0x9c: {  	v61 =	vld [tilespmem:$0x3F0]  }
0x9d: {  	v62 =	vld [tilespmem:$0x5E0];
	[tilespmem:$0xBB8] =	vst v1  }
0x9e: {  	v0 =	vld.idx.msk [tilespmem:v59+s8+$0x0], $0xffff;
	_ =	sdelay $0x4  }
0x9f: {  	v0 =	vadd.f32 v62, v0;
	_ =	sdelay $0x1  }
0xa0: {  	v63 =	vld [tilespmem:$0x5F0];
	[tilespmem:$0xBC8] =	vst v0  }
0xa1: {  	s16 =	ssub.s32 $0x2, s16;
	v0 =	vld.idx.msk [tilespmem:v61+s8+$0x0], $0xffff  }
0xa2: {  	s18 =	sshrl.u32 s16, $0x1  }
0xa3: {  	s16 =	ssub.s32 s16, s18  }
0xa4: {  	s18 =	smax.u32 s16, $0x1  }
0xa5: {  	s15 =	sadd.s32 s15, s17;
	s17 =	sadd.s32 $0xFFFFFFFF, s18  }
0xa6: {  	p1 =	sne.s32 s17, $0x0;
	v0 =	vadd.f32 v63, v0  }
.Ltmp0:
0xa7: {  	_ = 	snop;
	(pc) =	sbr.rel @!p1 .LBB2_2-.Ltmp0, $4  }
0xa8: {  	s16 =	simm.s32 $0x9E8;
	[tilespmem:$0xBD8] =	vst v0  }
0xa9: {  	[hbm4b:s15+s2] =	stream.linear.scatter [tilespmem:s16], [sflag:$0x2], $0x200, $0x38;
	[tilespmem:$0x1AAF8] =	vst v63  }
0xaa: {  	_ =	swait.ge [sflag:s3], $0x200  }
0xab: {  	[sflag:s3] =	ssyncset.done $0x0  }
.LBB2_1:
0xac: {  	s17 =	sadd.s32 $0xFFFFFFFF, s17;
	[sflag:s3] =	ssyncadd.s32 $0xFFFFFE00  }
0xad: {  	[tilespmem:s2], [sflag:$0x2] =	stream.linear.gather [hbm4b:s4+s2], $0x200, $0x38;
	[tilespmem:$0x1AAF8] =	vst v63  }
0xae: {  	p1 =	sne.s32 s17, $0x0;
	_ =	swait.ge [sflag:s3], $0x200  }
0xaf: {  	[sflag:s3] =	ssyncset.done $0x0  }
0xb0: {  	[sflag:s3] =	ssyncadd.s32 $0xFFFFFE00  }
0xb1: {  	[tilespmem:s6], [sflag:$0x2] =	stream.linear.gather [hbm4b:s5+s2], $0x200, $0x38;
	[tilespmem:$0x1AAF8] =	vst v63  }
0xb2: {  	_ =	swait.ge [sflag:s3], $0x200  }
0xb3: {  	[sflag:s3] =	ssyncset.done $0x0  }
0xb4: {  	[sflag:s3] =	ssyncadd.s32 $0xFFFFFE00  }
0xb5: {  	[tilespmem:s8], [sflag:$0x2] =	stream.linear.gather [hbm4b:s7+s2], $0x3E8, $0x38;
	[tilespmem:$0x1AAF8] =	vst v63  }
0xb6: {  	_ =	swait.ge [sflag:s3], $0x3E8  }
0xb7: {  	[sflag:s3] =	ssyncset.done $0x0  }
0xb8: {  	[sflag:s3] =	ssyncadd.s32 $0xFFFFFC18  }
0xb9: {  	[tilespmem:s12], [sflag:$0x2] =	stream.linear.gather @!p0 [hbm4b:s9+s11], $0x186A0, $0x38;
	[tilespmem:$0x1AAF8] =	vst v63  }
0xba: {  	_ =	swait.ge @!p0 [sflag:s10], $0x186A0  }
0xbb: {  	[sflag:s10] =	ssyncset.done @!p0 $0x0  }
0xbc: {  	[sflag:s10] =	ssyncadd.s32 @!p0 $0xFFFE7960  }
0xbd: {  	[spmem:s1] =	stream.linear.scatter @!p0 [tilespmem:s12], [sflag:$0x2], $0x186A0, $0x38;
	[tilespmem:$0x1AAF8] =	vst v63  }
0xbe: {  	_ =	swait.ge @!p0 [sflag:s10], $0x186A0  }
0xbf: {  	[sflag:s10] =	ssyncset.done @!p0 $0x0  }
0xc0: {  	[sflag:s10] =	ssyncadd.s32 @!p0 $0xFFFE7960  }
0xc1: {  	[bflag:$0x0] =	sbarrier.arrive $0xFFFF  }
0xc2: {  	[tilespmem:s13], [sflag:$0x1] =	stream.indirect.gather [spmem:s1], $0x1, s2, s6, $0xb8;
	[tilespmem:$0x1AAF8] =	vst v63  }
0xc3: {  	_ =	swait.ge [sflag:s14], $0x200  }
0xc4: {  	[sflag:s14] =	ssyncset.done $0x0  }
0xc5: {  	[sflag:s14] =	ssyncadd.s32 $0xFFFFFE00  }
0xc6: {  	v0 =	vld [tilespmem:$0x200];
	_ =	sdelay $0x6  }
0xc7: {  	v1 =	vld [tilespmem:$0x210]  }
0xc8: {  	v0 =	vld.idx.msk [tilespmem:v0+s8+$0x0], $0xffff  }
0xc9: {  	v2 =	vld [tilespmem:$0x400];
	_ =	sdelay $0x4  }
0xca: {  	v0 =	vadd.f32 v2, v0;
	_ =	sdelay $0x1  }
0xcb: {  	[tilespmem:$0x9E8] =	vst v0;
	v0 =	vld [tilespmem:$0x220]  }
0xcc: {  	v1 =	vld.idx.msk [tilespmem:v1+s8+$0x0], $0xffff  }
0xcd: {  	v2 =	vld [tilespmem:$0x410];
	_ =	sdelay $0x4  }
0xce: {  	v1 =	vadd.f32 v2, v1;
	_ =	sdelay $0x1  }
0xcf: {  	[tilespmem:$0x9F8] =	vst v1;
	v1 =	vld [tilespmem:$0x230]  }
0xd0: {  	v0 =	vld.idx.msk [tilespmem:v0+s8+$0x0], $0xffff  }
0xd1: {  	v2 =	vld [tilespmem:$0x420];
	_ =	sdelay $0x4  }
0xd2: {  	v0 =	vadd.f32 v2, v0;
	_ =	sdelay $0x1  }
0xd3: {  	[tilespmem:$0xA08] =	vst v0;
	v0 =	vld [tilespmem:$0x240]  }
0xd4: {  	v1 =	vld.idx.msk [tilespmem:v1+s8+$0x0], $0xffff  }
0xd5: {  	v2 =	vld [tilespmem:$0x430];
	_ =	sdelay $0x4  }
0xd6: {  	v1 =	vadd.f32 v2, v1;
	_ =	sdelay $0x1  }
0xd7: {  	[tilespmem:$0xA18] =	vst v1;
	v1 =	vld [tilespmem:$0x250]  }
0xd8: {  	v0 =	vld.idx.msk [tilespmem:v0+s8+$0x0], $0xffff  }
0xd9: {  	v2 =	vld [tilespmem:$0x440];
	_ =	sdelay $0x4  }
0xda: {  	v0 =	vadd.f32 v2, v0;
	_ =	sdelay $0x1  }
0xdb: {  	[tilespmem:$0xA28] =	vst v0;
	v0 =	vld [tilespmem:$0x260]  }
0xdc: {  	v1 =	vld.idx.msk [tilespmem:v1+s8+$0x0], $0xffff  }
0xdd: {  	v2 =	vld [tilespmem:$0x450];
	_ =	sdelay $0x4  }
0xde: {  	v1 =	vadd.f32 v2, v1;
	_ =	sdelay $0x1  }
0xdf: {  	[tilespmem:$0xA38] =	vst v1;
	v1 =	vld [tilespmem:$0x270]  }
0xe0: {  	v0 =	vld.idx.msk [tilespmem:v0+s8+$0x0], $0xffff  }
0xe1: {  	v2 =	vld [tilespmem:$0x460];
	_ =	sdelay $0x4  }
0xe2: {  	v0 =	vadd.f32 v2, v0;
	_ =	sdelay $0x1  }
0xe3: {  	[tilespmem:$0xA48] =	vst v0;
	v0 =	vld [tilespmem:$0x280]  }
0xe4: {  	v1 =	vld.idx.msk [tilespmem:v1+s8+$0x0], $0xffff  }
0xe5: {  	v2 =	vld [tilespmem:$0x470];
	_ =	sdelay $0x4  }
0xe6: {  	v1 =	vadd.f32 v2, v1;
	_ =	sdelay $0x1  }
0xe7: {  	[tilespmem:$0xA58] =	vst v1;
	v1 =	vld [tilespmem:$0x290]  }
0xe8: {  	v0 =	vld.idx.msk [tilespmem:v0+s8+$0x0], $0xffff  }
0xe9: {  	v2 =	vld [tilespmem:$0x480];
	_ =	sdelay $0x4  }
0xea: {  	v0 =	vadd.f32 v2, v0;
	_ =	sdelay $0x1  }
0xeb: {  	[tilespmem:$0xA68] =	vst v0;
	v0 =	vld [tilespmem:$0x2A0]  }
0xec: {  	v1 =	vld.idx.msk [tilespmem:v1+s8+$0x0], $0xffff  }
0xed: {  	v2 =	vld [tilespmem:$0x490];
	_ =	sdelay $0x4  }
0xee: {  	v1 =	vadd.f32 v2, v1;
	_ =	sdelay $0x1  }
0xef: {  	[tilespmem:$0xA78] =	vst v1;
	v1 =	vld [tilespmem:$0x2B0]  }
0xf0: {  	v0 =	vld.idx.msk [tilespmem:v0+s8+$0x0], $0xffff  }
0xf1: {  	v2 =	vld [tilespmem:$0x4A0];
	_ =	sdelay $0x4  }
0xf2: {  	v0 =	vadd.f32 v2, v0;
	_ =	sdelay $0x1  }
0xf3: {  	[tilespmem:$0xA88] =	vst v0;
	v0 =	vld [tilespmem:$0x2C0]  }
0xf4: {  	v1 =	vld.idx.msk [tilespmem:v1+s8+$0x0], $0xffff  }
0xf5: {  	v2 =	vld [tilespmem:$0x4B0];
	_ =	sdelay $0x4  }
0xf6: {  	v1 =	vadd.f32 v2, v1;
	_ =	sdelay $0x1  }
0xf7: {  	[tilespmem:$0xA98] =	vst v1;
	v1 =	vld [tilespmem:$0x2D0]  }
0xf8: {  	v0 =	vld.idx.msk [tilespmem:v0+s8+$0x0], $0xffff  }
0xf9: {  	v2 =	vld [tilespmem:$0x4C0];
	_ =	sdelay $0x4  }
0xfa: {  	v0 =	vadd.f32 v2, v0;
	_ =	sdelay $0x1  }
0xfb: {  	[tilespmem:$0xAA8] =	vst v0;
	v0 =	vld [tilespmem:$0x2E0]  }
0xfc: {  	v1 =	vld.idx.msk [tilespmem:v1+s8+$0x0], $0xffff  }
0xfd: {  	v2 =	vld [tilespmem:$0x4D0];
	_ =	sdelay $0x4  }
0xfe: {  	v1 =	vadd.f32 v2, v1;
	_ =	sdelay $0x1  }
0xff: {  	[tilespmem:$0xAB8] =	vst v1;
	v1 =	vld [tilespmem:$0x2F0]  }
0x100: {  	v0 =	vld.idx.msk [tilespmem:v0+s8+$0x0], $0xffff  }
0x101: {  	v2 =	vld [tilespmem:$0x4E0];
	_ =	sdelay $0x4  }
0x102: {  	v0 =	vadd.f32 v2, v0;
	_ =	sdelay $0x1  }
0x103: {  	[tilespmem:$0xAC8] =	vst v0;
	v0 =	vld [tilespmem:$0x300]  }
0x104: {  	v1 =	vld.idx.msk [tilespmem:v1+s8+$0x0], $0xffff  }
0x105: {  	v2 =	vld [tilespmem:$0x4F0];
	_ =	sdelay $0x4  }
0x106: {  	v1 =	vadd.f32 v2, v1;
	_ =	sdelay $0x1  }
0x107: {  	[tilespmem:$0xAD8] =	vst v1;
	v1 =	vld [tilespmem:$0x310]  }
0x108: {  	v0 =	vld.idx.msk [tilespmem:v0+s8+$0x0], $0xffff  }
0x109: {  	v2 =	vld [tilespmem:$0x500];
	_ =	sdelay $0x4  }
0x10a: {  	v0 =	vadd.f32 v2, v0;
	_ =	sdelay $0x1  }
0x10b: {  	[tilespmem:$0xAE8] =	vst v0;
	v0 =	vld [tilespmem:$0x320]  }
0x10c: {  	v1 =	vld.idx.msk [tilespmem:v1+s8+$0x0], $0xffff  }
0x10d: {  	v2 =	vld [tilespmem:$0x510];
	_ =	sdelay $0x4  }
0x10e: {  	v1 =	vadd.f32 v2, v1;
	_ =	sdelay $0x1  }
0x10f: {  	[tilespmem:$0xAF8] =	vst v1;
	v1 =	vld [tilespmem:$0x330]  }
0x110: {  	v0 =	vld.idx.msk [tilespmem:v0+s8+$0x0], $0xffff  }
0x111: {  	v2 =	vld [tilespmem:$0x520];
	_ =	sdelay $0x4  }
0x112: {  	v0 =	vadd.f32 v2, v0;
	_ =	sdelay $0x1  }
0x113: {  	[tilespmem:$0xB08] =	vst v0;
	v0 =	vld [tilespmem:$0x340]  }
0x114: {  	v1 =	vld.idx.msk [tilespmem:v1+s8+$0x0], $0xffff  }
0x115: {  	v2 =	vld [tilespmem:$0x530];
	_ =	sdelay $0x4  }
0x116: {  	v1 =	vadd.f32 v2, v1;
	_ =	sdelay $0x1  }
0x117: {  	[tilespmem:$0xB18] =	vst v1;
	v1 =	vld [tilespmem:$0x350]  }
0x118: {  	v0 =	vld.idx.msk [tilespmem:v0+s8+$0x0], $0xffff  }
0x119: {  	v2 =	vld [tilespmem:$0x540];
	_ =	sdelay $0x4  }
0x11a: {  	v0 =	vadd.f32 v2, v0;
	_ =	sdelay $0x1  }
0x11b: {  	[tilespmem:$0xB28] =	vst v0;
	v0 =	vld [tilespmem:$0x360]  }
0x11c: {  	v1 =	vld.idx.msk [tilespmem:v1+s8+$0x0], $0xffff  }
0x11d: {  	v2 =	vld [tilespmem:$0x550];
	_ =	sdelay $0x4  }
0x11e: {  	v1 =	vadd.f32 v2, v1;
	_ =	sdelay $0x1  }
0x11f: {  	[tilespmem:$0xB38] =	vst v1;
	v1 =	vld [tilespmem:$0x370]  }
0x120: {  	v0 =	vld.idx.msk [tilespmem:v0+s8+$0x0], $0xffff  }
0x121: {  	v2 =	vld [tilespmem:$0x560];
	_ =	sdelay $0x4  }
0x122: {  	v0 =	vadd.f32 v2, v0;
	_ =	sdelay $0x1  }
0x123: {  	[tilespmem:$0xB48] =	vst v0;
	v0 =	vld [tilespmem:$0x380]  }
0x124: {  	v1 =	vld.idx.msk [tilespmem:v1+s8+$0x0], $0xffff  }
0x125: {  	v2 =	vld [tilespmem:$0x570];
	_ =	sdelay $0x4  }
0x126: {  	v1 =	vadd.f32 v2, v1;
	_ =	sdelay $0x1  }
0x127: {  	[tilespmem:$0xB58] =	vst v1;
	v1 =	vld [tilespmem:$0x390]  }
0x128: {  	v0 =	vld.idx.msk [tilespmem:v0+s8+$0x0], $0xffff  }
0x129: {  	v2 =	vld [tilespmem:$0x580];
	_ =	sdelay $0x4  }
0x12a: {  	v0 =	vadd.f32 v2, v0;
	_ =	sdelay $0x1  }
0x12b: {  	[tilespmem:$0xB68] =	vst v0;
	v0 =	vld [tilespmem:$0x3A0]  }
0x12c: {  	v1 =	vld.idx.msk [tilespmem:v1+s8+$0x0], $0xffff  }
0x12d: {  	v2 =	vld [tilespmem:$0x590];
	_ =	sdelay $0x4  }
0x12e: {  	v1 =	vadd.f32 v2, v1;
	_ =	sdelay $0x1  }
0x12f: {  	[tilespmem:$0xB78] =	vst v1;
	v1 =	vld [tilespmem:$0x3B0]  }
0x130: {  	v0 =	vld.idx.msk [tilespmem:v0+s8+$0x0], $0xffff  }
0x131: {  	v2 =	vld [tilespmem:$0x5A0];
	_ =	sdelay $0x4  }
0x132: {  	v0 =	vadd.f32 v2, v0;
	_ =	sdelay $0x1  }
0x133: {  	[tilespmem:$0xB88] =	vst v0;
	v0 =	vld [tilespmem:$0x3C0]  }
0x134: {  	v1 =	vld.idx.msk [tilespmem:v1+s8+$0x0], $0xffff  }
0x135: {  	v2 =	vld [tilespmem:$0x5B0];
	_ =	sdelay $0x4  }
0x136: {  	v1 =	vadd.f32 v2, v1;
	_ =	sdelay $0x1  }
0x137: {  	[tilespmem:$0xB98] =	vst v1;
	v1 =	vld [tilespmem:$0x3D0]  }
0x138: {  	v0 =	vld.idx.msk [tilespmem:v0+s8+$0x0], $0xffff  }
0x139: {  	v2 =	vld [tilespmem:$0x5C0];
	_ =	sdelay $0x4  }
0x13a: {  	v0 =	vadd.f32 v2, v0;
	_ =	sdelay $0x1  }
0x13b: {  	[tilespmem:$0xBA8] =	vst v0;
	v0 =	vld [tilespmem:$0x3E0]  }
0x13c: {  	v1 =	vld.idx.msk [tilespmem:v1+s8+$0x0], $0xffff  }
0x13d: {  	v2 =	vld [tilespmem:$0x5D0];
	_ =	sdelay $0x4  }
0x13e: {  	v1 =	vadd.f32 v2, v1;
	_ =	sdelay $0x1  }
0x13f: {  	[tilespmem:$0xBB8] =	vst v1;
	v1 =	vld [tilespmem:$0x3F0]  }
0x140: {  	v0 =	vld.idx.msk [tilespmem:v0+s8+$0x0], $0xffff  }
0x141: {  	v2 =	vld [tilespmem:$0x5E0];
	_ =	sdelay $0x4  }
0x142: {  	v0 =	vadd.f32 v2, v0;
	_ =	sdelay $0x1  }
0x143: {  	[tilespmem:$0xBC8] =	vst v0  }
0x144: {  	v0 =	vld.idx.msk [tilespmem:v1+s8+$0x0], $0xffff  }
0x145: {  	v1 =	vld [tilespmem:$0x5F0];
	_ =	sdelay $0x4  }
0x146: {  	v0 =	vadd.f32 v1, v0  }
.Ltmp1:
0x147: {  	(pc) =	sbr.rel @p1 .LBB2_1-.Ltmp1, $4  }
0x148: {  	[tilespmem:$0xBD8] =	vst v0  }
0x149: {  	[hbm4b:s15+s2] =	stream.linear.scatter [tilespmem:s16], [sflag:$0x2], $0x200, $0x38;
	[tilespmem:$0x1AAF8] =	vst v63  }
0x14a: {  	_ =	swait.ge [sflag:s3], $0x200  }
0x14b: {  	[sflag:s3] =	ssyncset.done $0x0  }
.LBB2_2:
0x14c: {  	[sflag:s3] =	ssyncadd.s32 $0xFFFFFE00  }
0x14d: {  	_ =	sfence.sel $0x180000  }
0x14e: {  	[bflag:$0x0] =	sbarrier.arrive $0xFFFF  }
0x14f: {  	_ =	strace $0x90000047  }
0x150: {  	s0 =	sadd.s32 @!p0 $0x100000, s0;
	[bflag:$0x2] =	sbarrier.arrive $0xFFFF  }
0x151: {  	[sflag:s0] =	ssyncadd.tile.s32 @!p0 $0x1;
	_ =	shalt  }
.Lfunc_end2:
_tile_overlayer_lowered:
.L_overlay_start_2:
0x152: {  	(tag) =	ssettag $0x2  }
0x153: {  	s0 =	rddreg [dreg:$0x0];
	s2 =	stileid.u32  }
0x154: {  	s1 =	rddreg [dreg:$0x1];
	p0 =	sne.s32 s2, $0x0  }
0x155: {  	s3 =	rddreg [dreg:$0x2];
	[bflag:$0x3] =	sbarrier.arrive $0xFFFF;
	s2 =	simm.s32 @!p0 $0x1C02  }
0x156: {  	[timem:s3], [sflag:s2] =	dma.local @!p0 [hbm:s0], s1  }
0x157: {  	s0 =	simm.s32 @!p0 $0x2  }
0x158: {  	_ =	swait.ge @!p0 [sflag:s0], s1  }
0x159: {  	s1 =	ssub.s32 @!p0 $0x0, s1;
	[sflag:s0] =	ssyncset.done @!p0 $0x0  }
0x15a: {  	[sflag:s0] =	ssyncadd.s32 @!p0 s1  }
0x15b: {  	[bflag:$0x3] =	sbarrier.arrive $0xFFFF  }
0x15c: {  	_ =	shalt  }

</sc_bundles>
